<compile_context>
chip_gen: v7x
topology: tpu7x:2x2x1
jax: 0.10.2.dev20260603
libtpu: 0.0.44.dev20260713+nightly
codegen_flags: <defaults>
</compile_context>

<pallas_src>
import functools

import jax
import jax.numpy as jnp
from jax import lax
from jax.experimental import pallas as pl
from jax.experimental.pallas import tpu as pltpu
from jax.experimental.pallas import tpu_sc as plsc

NC = 2
NS = 16
CHUNK = 128
NBUF = 4
LAG = 2
WCH = 40
LANES = 16


def _mesh():
    return plsc.VectorSubcoreMesh(core_axis_name="c", subcore_axis_name="s")


@functools.cache
def _deg_sc(n_pad, ch):
    rpt = n_pad // NS
    ch2 = ch // 2

    @functools.partial(
        pl.kernel,
        out_type=jax.ShapeDtypeStruct((NC, n_pad, LANES), jnp.float32),
        mesh=_mesh(),
        compiler_params=pltpu.CompilerParams(use_tc_tiling_on_sc=False),
        scratch_types=[
            pltpu.VMEM_SHARED((n_pad, LANES), jnp.float32),
            pltpu.VMEM((ch, CHUNK), jnp.int32),
            pltpu.VMEM((CHUNK, LANES), jnp.float32),
        ],
    )
    def k(ei_hbm, z_hbm, ones_hbm, out_hbm, acc_sh, idx_v, ones_v):
        cid = lax.axis_index("c")
        tid = lax.axis_index("s")
        r0 = tid * rpt
        pltpu.sync_copy(ones_hbm, ones_v)
        pltpu.sync_copy(ei_hbm.at[0, tid], idx_v)
        pltpu.sync_copy(z_hbm.at[pl.ds(r0, rpt)], acc_sh.at[pl.ds(r0, rpt)])
        plsc.subcore_barrier()

        def step(j, carry):
            pltpu.sync_copy(ones_v, acc_sh.at[idx_v.at[j]], add=True)
            return carry

        lax.fori_loop(cid * ch2, cid * ch2 + ch2, step, 0)
        plsc.subcore_barrier()
        pltpu.sync_copy(acc_sh.at[pl.ds(r0, rpt)],
                        out_hbm.at[cid, pl.ds(r0, rpt)])

    return k


@functools.cache
def _seg_sum_sc(n_pad, half, ch):
    rpt = n_pad // NS
    W = WCH
    assert ch % W == 0

    @functools.partial(
        pl.kernel,
        out_type=jax.ShapeDtypeStruct((NC, n_pad, half), jnp.float32),
        mesh=_mesh(),
        compiler_params=pltpu.CompilerParams(use_tc_tiling_on_sc=False),
        scratch_types=[
            pltpu.VMEM_SHARED((n_pad, half), jnp.float32),
            pltpu.VMEM_SHARED((n_pad, half), jnp.float32),
            pltpu.VMEM((W, CHUNK), jnp.int32),
            pltpu.VMEM((W, CHUNK), jnp.int32),
            [pltpu.VMEM((CHUNK, half), jnp.float32) for _ in range(NBUF)],
            [pltpu.SemaphoreType.DMA for _ in range(NBUF)],
            [pltpu.SemaphoreType.DMA for _ in range(NBUF)],
        ],
    )
    def k(g_hbm, ei_hbm, z_hbm, out_hbm, acc_sh, g_sh, src_v, dst_v,
          rows, gsems, ssems):
        cid = lax.axis_index("c")
        tid = lax.axis_index("s")
        r0 = tid * rpt
        pltpu.sync_copy(g_hbm.at[cid, pl.ds(r0, rpt)], g_sh.at[pl.ds(r0, rpt)])
        pltpu.sync_copy(z_hbm.at[pl.ds(r0, rpt)], acc_sh.at[pl.ds(r0, rpt)])
        plsc.subcore_barrier()

        def wloop(w, carry):
            pltpu.sync_copy(ei_hbm.at[0, tid, pl.ds(w * W, W)], src_v)
            pltpu.sync_copy(ei_hbm.at[1, tid, pl.ds(w * W, W)], dst_v)
            for b in range(NBUF):
                pltpu.async_copy(g_sh.at[src_v.at[b]], rows[b], gsems[b])

            def step(i, carry2):
                j0 = i * NBUF
                for b in range(NBUF):
                    j = j0 + b
                    pltpu.make_async_copy(g_sh.at[src_v.at[0]], rows[b],
                                          gsems[b]).wait()
                    pltpu.async_copy(rows[b], acc_sh.at[dst_v.at[j]],
                                     ssems[b], add=True)
                    bk = (b - LAG) % NBUF
                    k_ = j - LAG

                    @pl.when(k_ >= 0)
                    def _():
                        pltpu.make_async_copy(rows[bk],
                                              acc_sh.at[dst_v.at[0]],
                                              ssems[bk]).wait()

                        @pl.when(k_ + NBUF < W)
                        def _():
                            pltpu.async_copy(g_sh.at[src_v.at[k_ + NBUF]],
                                             rows[bk], gsems[bk])

                return carry2

            lax.fori_loop(0, W // NBUF, step, 0)
            for b in range(LAG):
                bb = (W - LAG + b) % NBUF
                pltpu.make_async_copy(rows[bb], acc_sh.at[dst_v.at[0]],
                                      ssems[bb]).wait()
            return carry

        lax.fori_loop(0, ch // W, wloop, 0)
        plsc.subcore_barrier()
        pltpu.sync_copy(acc_sh.at[pl.ds(r0, rpt)],
                        out_hbm.at[cid, pl.ds(r0, rpt)])

    return k


def _dis_from(deg_rep):
    deg = deg_rep[0, :, 0] + deg_rep[1, :, 0]
    safe = jnp.where(deg > 0, deg, 1.0)
    return jnp.where(deg > 0, lax.rsqrt(safe), 0.0)


def _mm1a_body(x_ref, w_ref, b_ref, h_ref):
    h_ref[...] = jnp.maximum(
        jnp.dot(x_ref[...], w_ref[...],
                preferred_element_type=jnp.float32) + b_ref[...], 0.0)


def _mm1b_body(h_ref, deg_ref, g_ref):
    dis = _dis_from(deg_ref[...])
    g = h_ref[...] * dis[:, None]
    half = g.shape[1] // 2
    g_ref[0] = g[:, :half]
    g_ref[1] = g[:, half:]


def _mm2_body(h_ref, acc_ref, deg_ref, w20_ref, w21_ref, b2_ref,
              wl_ref, bl_ref, o_ref):
    dis = _dis_from(deg_ref[...])
    tx1 = jnp.concatenate([acc_ref[0], acc_ref[1]], axis=1) * (-dis)[:, None]
    h = h_ref[...]
    t = jnp.dot(h, w20_ref[...], preferred_element_type=jnp.float32)
    t = t + jnp.dot(tx1, w21_ref[...], preferred_element_type=jnp.float32)
    t = jnp.maximum(t + b2_ref[...], 0.0) + h
    logits = jnp.dot(t, wl_ref[...], preferred_element_type=jnp.float32) + bl_ref[...]
    m = jnp.max(logits, axis=1, keepdims=True)
    s = logits - m
    lse = jnp.log(jnp.sum(jnp.exp(s), axis=1, keepdims=True))
    o_ref[...] = s - lse


def kernel(x, edge_index, W1, b1, W2, b2, Wl, bl):
    n, f_in = x.shape
    e = edge_index.shape[1]
    hid = W2.shape[-1]
    half = hid // 2
    ncls = Wl.shape[-1]

    grain = NS * CHUNK * WCH
    e_pad = -(-e // grain) * grain
    ch = e_pad // (NS * CHUNK)
    n_pad = -(-n // (NS * 64)) * (NS * 64)

    ei = jnp.concatenate(
        [edge_index.astype(jnp.int32),
         jnp.full((2, e_pad - e), n, jnp.int32)], axis=1
    ).reshape(2, NS, ch, CHUNK)
    x_pad = jnp.zeros((n_pad, f_in), jnp.float32).at[:n].set(x)

    z16 = jnp.zeros((n_pad, LANES), jnp.float32)
    ones = jnp.ones((CHUNK, LANES), jnp.float32)
    zh = jnp.zeros((n_pad, half), jnp.float32)

    deg_rep = _deg_sc(n_pad, ch)(ei, z16, ones)

    blk1 = 640
    g1 = n_pad // blk1
    h_pad = pl.pallas_call(
        _mm1a_body,
        grid=(g1,),
        in_specs=[
            pl.BlockSpec((blk1, f_in), lambda i: (i, 0)),
            pl.BlockSpec((f_in, hid), lambda i: (0, 0)),
            pl.BlockSpec((1, hid), lambda i: (0, 0)),
        ],
        out_specs=pl.BlockSpec((blk1, hid), lambda i: (i, 0)),
        out_shape=jax.ShapeDtypeStruct((n_pad, hid), jnp.float32),
    )(x_pad, W1[0], b1.reshape(1, hid))
    g_split = pl.pallas_call(
        _mm1b_body,
        grid=(g1,),
        in_specs=[
            pl.BlockSpec((blk1, hid), lambda i: (i, 0)),
            pl.BlockSpec((NC, blk1, LANES), lambda i: (0, i, 0)),
        ],
        out_specs=pl.BlockSpec((NC, blk1, half), lambda i: (0, i, 0)),
        out_shape=jax.ShapeDtypeStruct((NC, n_pad, half), jnp.float32),
    )(h_pad, deg_rep)

    acc = _seg_sum_sc(n_pad, half, ch)(g_split, ei, zh)

    blk2 = 1000
    g2 = n // blk2
    out = pl.pallas_call(
        _mm2_body,
        grid=(g2,),
        in_specs=[
            pl.BlockSpec((blk2, hid), lambda i: (i, 0)),
            pl.BlockSpec((NC, blk2, half), lambda i: (0, i, 0)),
            pl.BlockSpec((NC, blk2, LANES), lambda i: (0, i, 0)),
            pl.BlockSpec((hid, hid), lambda i: (0, 0)),
            pl.BlockSpec((hid, hid), lambda i: (0, 0)),
            pl.BlockSpec((1, hid), lambda i: (0, 0)),
            pl.BlockSpec((hid, ncls), lambda i: (0, 0)),
            pl.BlockSpec((1, ncls), lambda i: (0, 0)),
        ],
        out_specs=pl.BlockSpec((blk2, ncls), lambda i: (i, 0)),
        out_shape=jax.ShapeDtypeStruct((n, ncls), jnp.float32),
    )(h_pad, acc, deg_rep, W2[0], W2[1], b2.reshape(1, hid),
      Wl, bl.reshape(1, ncls))

    return out

# --- scband reference (transcript-rebuilt; emitter-appended) ---
"""Pipeline reference for scband-chebyshev-convolution-55662776156462 (READ-ONLY COPY).

The authoritative reference and input builder live on the scoring server;
editing this copy changes nothing except your own understanding.
"""

import jax, jax.numpy as jnp
import numpy as np

N = 10000
E = 320000
F_IN = 128
HID = 128
NUM_CLASSES = 40


def _glorot(key, shape):
    fan_in, fan_out = shape[-2], shape[-1]
    std = np.sqrt(2.0 / (fan_in + fan_out))
    return jax.random.normal(key, shape, dtype=jnp.float32) * std


def setup_inputs(seed: int = 0) -> dict:
    key = jax.random.key(seed)
    ks = jax.random.split(key, 8)
    x = jax.random.normal(ks[0], (N, F_IN), dtype=jnp.float32)
    edge_index = jax.random.randint(ks[1], (2, E), 0, N, dtype=jnp.int32)
    # ChebConv weights: conv1 has K=1 (one basis), conv2 has K=2 (two bases)
    W1 = _glorot(ks[2], (1, F_IN, HID))
    b1 = jnp.zeros((HID,), dtype=jnp.float32)
    W2 = _glorot(ks[3], (2, HID, HID))
    b2 = jnp.zeros((HID,), dtype=jnp.float32)
    Wl = _glorot(ks[4], (HID, NUM_CLASSES))
    bl = jnp.zeros((NUM_CLASSES,), dtype=jnp.float32)
    return {"x": x, "edge_index": edge_index, "W1": W1, "b1": b1, "W2": W2, "b2": b2, "Wl": Wl, "bl": bl}


def _cheb_norm(edge_index, num_nodes):
    # PyG ChebConv with normalization='sym', lambda_max=2.0:
    # L_hat = 2L/lambda_max - I = -D^{-1/2} A D^{-1/2} (diagonal cancels to 0)
    row, col = edge_index[0], edge_index[1]
    deg = jnp.zeros((num_nodes,), jnp.float32).at[row].add(jnp.ones((row.shape[0],), jnp.float32))
    deg_inv_sqrt = jnp.where(deg > 0, 1.0 / jnp.sqrt(jnp.where(deg > 0, deg, 1.0)), 0.0)
    norm = -deg_inv_sqrt[row] * deg_inv_sqrt[col]
    return norm


def _propagate(x, edge_index, norm):
    src, dst = edge_index[0], edge_index[1]
    msg = x[src] * norm[:, None]
    return jnp.zeros_like(x).at[dst].add(msg)


def _cheb_conv(x, edge_index, norm, W, b):
    K = W.shape[0]
    Tx0 = x
    out = Tx0 @ W[0]
    if K > 1:
        Tx1 = _propagate(Tx0, edge_index, norm)
        out = out + Tx1 @ W[1]
        Tx_prev, Tx_cur = Tx0, Tx1
        for k in range(2, K):
            Tx_new = 2.0 * _propagate(Tx_cur, edge_index, norm) - Tx_prev
            out = out + Tx_new @ W[k]
            Tx_prev, Tx_cur = Tx_cur, Tx_new
    return out + b


def reference(x, edge_index, W1, b1, W2, b2, Wl, bl):
    norm = _cheb_norm(edge_index, x.shape[0])
    h = jax.nn.relu(_cheb_conv(x, edge_index, norm, W1, b1))
    # dropout is identity in eval mode
    h_res = h
    h = jax.nn.relu(_cheb_conv(h, edge_index, norm, W2, b2))
    h = h + h_res
    out = h @ Wl + bl
    return jax.nn.log_softmax(out, axis=1)

if __name__ == "__main__":
    import jax
    _d = setup_inputs()
    print(jax.jit(kernel)(*tuple(_d.values())))

</pallas_src>

<mosaic_0001>
#map = affine_map<(d0, d1) -> (0, 0, 0)>
#map1 = affine_map<(d0, d1) -> (0, 0, 0, 0)>
#map2 = affine_map<(d0, d1) -> (0, 0)>
module attributes {stable_mosaic.version = 14 : i64} {
  func.func @k(%arg0: i32, %arg1: i32, %arg2: memref<2x10240x64xf32, #tpu.memory_space<hbm>>, %arg3: memref<2x16x160x128xi32, #tpu.memory_space<hbm>>, %arg4: memref<10240x64xf32, #tpu.memory_space<hbm>>, %arg5: memref<2x10240x64xf32, #tpu.memory_space<hbm>>, %arg6: memref<10240x64xf32, #tpu.memory_space<vmem_shared>>, %arg7: memref<10240x64xf32, #tpu.memory_space<vmem_shared>>, %arg8: memref<40x128xi32, #tpu.memory_space<vmem>>, %arg9: memref<40x128xi32, #tpu.memory_space<vmem>>, %arg10: memref<128x64xf32, #tpu.memory_space<vmem>>, %arg11: memref<128x64xf32, #tpu.memory_space<vmem>>, %arg12: memref<128x64xf32, #tpu.memory_space<vmem>>, %arg13: memref<128x64xf32, #tpu.memory_space<vmem>>, %arg14: memref<!tpu.dma_semaphore, #tpu.memory_space<semaphore_mem>>, %arg15: memref<!tpu.dma_semaphore, #tpu.memory_space<semaphore_mem>>, %arg16: memref<!tpu.dma_semaphore, #tpu.memory_space<semaphore_mem>>, %arg17: memref<!tpu.dma_semaphore, #tpu.memory_space<semaphore_mem>>, %arg18: memref<!tpu.dma_semaphore, #tpu.memory_space<semaphore_mem>>, %arg19: memref<!tpu.dma_semaphore, #tpu.memory_space<semaphore_mem>>, %arg20: memref<!tpu.dma_semaphore, #tpu.memory_space<semaphore_mem>>, %arg21: memref<!tpu.dma_semaphore, #tpu.memory_space<semaphore_mem>>) attributes {dimension_semantics = [#tpu.dimension_semantics<core_parallel>, #tpu.dimension_semantics<subcore_parallel>], iteration_bounds = array<i64: 2, 16>, scalar_prefetch = 0 : i64, scratch_operands = 16 : i64, tpu.core_type = #tpu.core_type<sc_vector_subcore>, window_params = [{transform_indices = #map}, {transform_indices = #map1}, {transform_indices = #map2}, {transform_indices = #map}]} {
    %mul3A = arith.constant 640 : i32
    %mul3A_0 = arith.muli %arg1, %mul3A : i32
    "tpu.region"() ({
      %run_scoped3A = tpu.sem_alloc : memref<!tpu.dma_semaphore, #tpu.memory_space<semaphore_mem>>
      %dma_start3A = arith.constant 0 : i32
      %dma_start3A_7 = tpu.memref_slice %arg7[%mul3A_0, %dma_start3A] : memref<10240x64xf32, #tpu.memory_space<vmem_shared>> -> memref<640x64xf32, #tpu.memory_space<vmem_shared>>
      %dma_start3A_8 = arith.constant 0 : i32
      %dma_start3A_9 = tpu.memref_slice %arg2[%arg0, %mul3A_0, %dma_start3A_8] : memref<2x10240x64xf32, #tpu.memory_space<hbm>> -> memref<1x640x64xf32, #tpu.memory_space<hbm>>
      %dma_start3A_10 = tpu.memref_squeeze %dma_start3A_9 : memref<1x640x64xf32, #tpu.memory_space<hbm>> -> memref<640x64xf32, #tpu.memory_space<hbm>>
      tpu.enqueue_dma source(%dma_start3A_10 : memref<640x64xf32, #tpu.memory_space<hbm>>) target(%dma_start3A_7 : memref<640x64xf32, #tpu.memory_space<vmem_shared>>) target_semaphore(%run_scoped3A : memref<!tpu.dma_semaphore, #tpu.memory_space<semaphore_mem>>)
      %dma_wait3A = arith.constant 0 : i32
      %dma_wait3A_11 = tpu.memref_slice %arg7[%mul3A_0, %dma_wait3A] : memref<10240x64xf32, #tpu.memory_space<vmem_shared>> -> memref<640x64xf32, #tpu.memory_space<vmem_shared>>
      %dma_wait3A_12 = arith.constant 0 : i32
      %dma_wait3A_13 = tpu.memref_slice %arg2[%arg0, %mul3A_0, %dma_wait3A_12] : memref<2x10240x64xf32, #tpu.memory_space<hbm>> -> memref<1x640x64xf32, #tpu.memory_space<hbm>>
      %dma_wait3A_14 = tpu.memref_squeeze %dma_wait3A_13 : memref<1x640x64xf32, #tpu.memory_space<hbm>> -> memref<640x64xf32, #tpu.memory_space<hbm>>
      tpu.wait_dma2 semaphore(%run_scoped3A : memref<!tpu.dma_semaphore, #tpu.memory_space<semaphore_mem>>) src(%dma_wait3A_14 : memref<640x64xf32, #tpu.memory_space<hbm>>) dst(%dma_wait3A_11 : memref<640x64xf32, #tpu.memory_space<vmem_shared>>)
      tpu.yield
    }) : () -> ()
    "tpu.region"() ({
      %run_scoped3A = tpu.sem_alloc : memref<!tpu.dma_semaphore, #tpu.memory_space<semaphore_mem>>
      %dma_start3A = arith.constant 0 : i32
      %dma_start3A_7 = tpu.memref_slice %arg6[%mul3A_0, %dma_start3A] : memref<10240x64xf32, #tpu.memory_space<vmem_shared>> -> memref<640x64xf32, #tpu.memory_space<vmem_shared>>
      %dma_start3A_8 = arith.constant 0 : i32
      %dma_start3A_9 = tpu.memref_slice %arg4[%mul3A_0, %dma_start3A_8] : memref<10240x64xf32, #tpu.memory_space<hbm>> -> memref<640x64xf32, #tpu.memory_space<hbm>>
      tpu.enqueue_dma source(%dma_start3A_9 : memref<640x64xf32, #tpu.memory_space<hbm>>) target(%dma_start3A_7 : memref<640x64xf32, #tpu.memory_space<vmem_shared>>) target_semaphore(%run_scoped3A : memref<!tpu.dma_semaphore, #tpu.memory_space<semaphore_mem>>)
      %dma_wait3A = arith.constant 0 : i32
      %dma_wait3A_10 = tpu.memref_slice %arg6[%mul3A_0, %dma_wait3A] : memref<10240x64xf32, #tpu.memory_space<vmem_shared>> -> memref<640x64xf32, #tpu.memory_space<vmem_shared>>
      %dma_wait3A_11 = arith.constant 0 : i32
      %dma_wait3A_12 = tpu.memref_slice %arg4[%mul3A_0, %dma_wait3A_11] : memref<10240x64xf32, #tpu.memory_space<hbm>> -> memref<640x64xf32, #tpu.memory_space<hbm>>
      tpu.wait_dma2 semaphore(%run_scoped3A : memref<!tpu.dma_semaphore, #tpu.memory_space<semaphore_mem>>) src(%dma_wait3A_12 : memref<640x64xf32, #tpu.memory_space<hbm>>) dst(%dma_wait3A_10 : memref<640x64xf32, #tpu.memory_space<vmem_shared>>)
      tpu.yield
    }) : () -> ()
    %barrier3A = arith.constant 0 : index
    tpu.barrier barrier_id(%barrier3A)
    %scan3A = arith.constant 0 : i32
    %scan3A_1 = arith.constant 0 : i32
    %scan3A_2 = arith.constant 4 : i32
    %scan3A_3 = arith.addi %scan3A_1, %scan3A_2 : i32
    %scan3A_4 = arith.constant 1 : i32
    scf.for %scan3A_7 = %scan3A_1 to %scan3A_3 step %scan3A_4  : i32 {
      %mul3A_8 = arith.constant 40 : i32
      %mul3A_9 = arith.muli %scan3A_7, %mul3A_8 : i32
      %run_scoped3A = arith.constant 0 : i32
      "tpu.region"() ({
        %run_scoped3A_59 = tpu.sem_alloc : memref<!tpu.dma_semaphore, #tpu.memory_space<semaphore_mem>>
        %dma_start3A_60 = arith.constant 0 : i32
        %dma_start3A_61 = tpu.memref_slice %arg3[%run_scoped3A, %arg1, %mul3A_9, %dma_start3A_60] : memref<2x16x160x128xi32, #tpu.memory_space<hbm>> -> memref<1x1x40x128xi32, #tpu.memory_space<hbm>>
        %dma_start3A_62 = tpu.memref_squeeze %dma_start3A_61 : memref<1x1x40x128xi32, #tpu.memory_space<hbm>> -> memref<40x128xi32, #tpu.memory_space<hbm>>
        %dma_start3A_63 = arith.constant 0 : i32
        %dma_start3A_64 = tpu.memref_slice %arg3[%run_scoped3A, %arg1, %mul3A_9, %dma_start3A_63] : memref<2x16x160x128xi32, #tpu.memory_space<hbm>> -> memref<1x1x40x128xi32, #tpu.memory_space<hbm>>
        %dma_start3A_65 = tpu.memref_squeeze %dma_start3A_64 : memref<1x1x40x128xi32, #tpu.memory_space<hbm>> -> memref<40x128xi32, #tpu.memory_space<hbm>>
        tpu.enqueue_dma source(%dma_start3A_65 : memref<40x128xi32, #tpu.memory_space<hbm>>) target(%arg8 : memref<40x128xi32, #tpu.memory_space<vmem>>) target_semaphore(%run_scoped3A_59 : memref<!tpu.dma_semaphore, #tpu.memory_space<semaphore_mem>>)
        %dma_wait3A_66 = arith.constant 0 : i32
        %dma_wait3A_67 = tpu.memref_slice %arg3[%run_scoped3A, %arg1, %mul3A_9, %dma_wait3A_66] : memref<2x16x160x128xi32, #tpu.memory_space<hbm>> -> memref<1x1x40x128xi32, #tpu.memory_space<hbm>>
        %dma_wait3A_68 = tpu.memref_squeeze %dma_wait3A_67 : memref<1x1x40x128xi32, #tpu.memory_space<hbm>> -> memref<40x128xi32, #tpu.memory_space<hbm>>
        %dma_wait3A_69 = arith.constant 0 : i32
        %dma_wait3A_70 = tpu.memref_slice %arg3[%run_scoped3A, %arg1, %mul3A_9, %dma_wait3A_69] : memref<2x16x160x128xi32, #tpu.memory_space<hbm>> -> memref<1x1x40x128xi32, #tpu.memory_space<hbm>>
        %dma_wait3A_71 = tpu.memref_squeeze %dma_wait3A_70 : memref<1x1x40x128xi32, #tpu.memory_space<hbm>> -> memref<40x128xi32, #tpu.memory_space<hbm>>
        tpu.wait_dma2 semaphore(%run_scoped3A_59 : memref<!tpu.dma_semaphore, #tpu.memory_space<semaphore_mem>>) src(%dma_wait3A_71 : memref<40x128xi32, #tpu.memory_space<hbm>>) dst(%arg8 : memref<40x128xi32, #tpu.memory_space<vmem>>)
        tpu.yield
      }) : () -> ()
      %mul3A_10 = arith.constant 40 : i32
      %mul3A_11 = arith.muli %scan3A_7, %mul3A_10 : i32
      %run_scoped3A_12 = arith.constant 1 : i32
      "tpu.region"() ({
        %run_scoped3A_59 = tpu.sem_alloc : memref<!tpu.dma_semaphore, #tpu.memory_space<semaphore_mem>>
        %dma_start3A_60 = arith.constant 0 : i32
        %dma_start3A_61 = tpu.memref_slice %arg3[%run_scoped3A_12, %arg1, %mul3A_11, %dma_start3A_60] : memref<2x16x160x128xi32, #tpu.memory_space<hbm>> -> memref<1x1x40x128xi32, #tpu.memory_space<hbm>>
        %dma_start3A_62 = tpu.memref_squeeze %dma_start3A_61 : memref<1x1x40x128xi32, #tpu.memory_space<hbm>> -> memref<40x128xi32, #tpu.memory_space<hbm>>
        %dma_start3A_63 = arith.constant 0 : i32
        %dma_start3A_64 = tpu.memref_slice %arg3[%run_scoped3A_12, %arg1, %mul3A_11, %dma_start3A_63] : memref<2x16x160x128xi32, #tpu.memory_space<hbm>> -> memref<1x1x40x128xi32, #tpu.memory_space<hbm>>
        %dma_start3A_65 = tpu.memref_squeeze %dma_start3A_64 : memref<1x1x40x128xi32, #tpu.memory_space<hbm>> -> memref<40x128xi32, #tpu.memory_space<hbm>>
        tpu.enqueue_dma source(%dma_start3A_65 : memref<40x128xi32, #tpu.memory_space<hbm>>) target(%arg9 : memref<40x128xi32, #tpu.memory_space<vmem>>) target_semaphore(%run_scoped3A_59 : memref<!tpu.dma_semaphore, #tpu.memory_space<semaphore_mem>>)
        %dma_wait3A_66 = arith.constant 0 : i32
        %dma_wait3A_67 = tpu.memref_slice %arg3[%run_scoped3A_12, %arg1, %mul3A_11, %dma_wait3A_66] : memref<2x16x160x128xi32, #tpu.memory_space<hbm>> -> memref<1x1x40x128xi32, #tpu.memory_space<hbm>>
        %dma_wait3A_68 = tpu.memref_squeeze %dma_wait3A_67 : memref<1x1x40x128xi32, #tpu.memory_space<hbm>> -> memref<40x128xi32, #tpu.memory_space<hbm>>
        %dma_wait3A_69 = arith.constant 0 : i32
        %dma_wait3A_70 = tpu.memref_slice %arg3[%run_scoped3A_12, %arg1, %mul3A_11, %dma_wait3A_69] : memref<2x16x160x128xi32, #tpu.memory_space<hbm>> -> memref<1x1x40x128xi32, #tpu.memory_space<hbm>>
        %dma_wait3A_71 = tpu.memref_squeeze %dma_wait3A_70 : memref<1x1x40x128xi32, #tpu.memory_space<hbm>> -> memref<40x128xi32, #tpu.memory_space<hbm>>
        tpu.wait_dma2 semaphore(%run_scoped3A_59 : memref<!tpu.dma_semaphore, #tpu.memory_space<semaphore_mem>>) src(%dma_wait3A_71 : memref<40x128xi32, #tpu.memory_space<hbm>>) dst(%arg9 : memref<40x128xi32, #tpu.memory_space<vmem>>)
        tpu.yield
      }) : () -> ()
      %dma_start3A = arith.constant 0 : i32
      %dma_start3A_13 = arith.constant 0 : i32
      %dma_start3A_14 = tpu.memref_slice %arg8[%dma_start3A, %dma_start3A_13] : memref<40x128xi32, #tpu.memory_space<vmem>> -> memref<1x128xi32, #tpu.memory_space<vmem>>
      %dma_start3A_15 = tpu.memref_squeeze %dma_start3A_14 : memref<1x128xi32, #tpu.memory_space<vmem>> -> memref<128xi32, #tpu.memory_space<vmem>>
      %dma_start3A_16 = arith.constant 0 : i32
      %dma_start3A_17 = arith.constant 0 : i32
      %dma_start3A_18 = tpu.memref_slice %arg7[%dma_start3A_16, %dma_start3A_17] : memref<10240x64xf32, #tpu.memory_space<vmem_shared>> -> memref<10240x64xf32, #tpu.memory_space<vmem_shared>>
      tpu.enqueue_indirect_dma source(%dma_start3A_18 : memref<10240x64xf32, #tpu.memory_space<vmem_shared>>) target(%arg10 : memref<128x64xf32, #tpu.memory_space<vmem>>) offsets(%dma_start3A_15 : memref<128xi32, #tpu.memory_space<vmem>>) semaphore(%arg14 : memref<!tpu.dma_semaphore, #tpu.memory_space<semaphore_mem>>)
      %dma_start3A_19 = arith.constant 1 : i32
      %dma_start3A_20 = arith.constant 0 : i32
      %dma_start3A_21 = tpu.memref_slice %arg8[%dma_start3A_19, %dma_start3A_20] : memref<40x128xi32, #tpu.memory_space<vmem>> -> memref<1x128xi32, #tpu.memory_space<vmem>>
      %dma_start3A_22 = tpu.memref_squeeze %dma_start3A_21 : memref<1x128xi32, #tpu.memory_space<vmem>> -> memref<128xi32, #tpu.memory_space<vmem>>
      %dma_start3A_23 = arith.constant 0 : i32
      %dma_start3A_24 = arith.constant 0 : i32
      %dma_start3A_25 = tpu.memref_slice %arg7[%dma_start3A_23, %dma_start3A_24] : memref<10240x64xf32, #tpu.memory_space<vmem_shared>> -> memref<10240x64xf32, #tpu.memory_space<vmem_shared>>
      tpu.enqueue_indirect_dma source(%dma_start3A_25 : memref<10240x64xf32, #tpu.memory_space<vmem_shared>>) target(%arg11 : memref<128x64xf32, #tpu.memory_space<vmem>>) offsets(%dma_start3A_22 : memref<128xi32, #tpu.memory_space<vmem>>) semaphore(%arg15 : memref<!tpu.dma_semaphore, #tpu.memory_space<semaphore_mem>>)
      %dma_start3A_26 = arith.constant 2 : i32
      %dma_start3A_27 = arith.constant 0 : i32
      %dma_start3A_28 = tpu.memref_slice %arg8[%dma_start3A_26, %dma_start3A_27] : memref<40x128xi32, #tpu.memory_space<vmem>> -> memref<1x128xi32, #tpu.memory_space<vmem>>
      %dma_start3A_29 = tpu.memref_squeeze %dma_start3A_28 : memref<1x128xi32, #tpu.memory_space<vmem>> -> memref<128xi32, #tpu.memory_space<vmem>>
      %dma_start3A_30 = arith.constant 0 : i32
      %dma_start3A_31 = arith.constant 0 : i32
      %dma_start3A_32 = tpu.memref_slice %arg7[%dma_start3A_30, %dma_start3A_31] : memref<10240x64xf32, #tpu.memory_space<vmem_shared>> -> memref<10240x64xf32, #tpu.memory_space<vmem_shared>>
      tpu.enqueue_indirect_dma source(%dma_start3A_32 : memref<10240x64xf32, #tpu.memory_space<vmem_shared>>) target(%arg12 : memref<128x64xf32, #tpu.memory_space<vmem>>) offsets(%dma_start3A_29 : memref<128xi32, #tpu.memory_space<vmem>>) semaphore(%arg16 : memref<!tpu.dma_semaphore, #tpu.memory_space<semaphore_mem>>)
      %dma_start3A_33 = arith.constant 3 : i32
      %dma_start3A_34 = arith.constant 0 : i32
      %dma_start3A_35 = tpu.memref_slice %arg8[%dma_start3A_33, %dma_start3A_34] : memref<40x128xi32, #tpu.memory_space<vmem>> -> memref<1x128xi32, #tpu.memory_space<vmem>>
      %dma_start3A_36 = tpu.memref_squeeze %dma_start3A_35 : memref<1x128xi32, #tpu.memory_space<vmem>> -> memref<128xi32, #tpu.memory_space<vmem>>
      %dma_start3A_37 = arith.constant 0 : i32
      %dma_start3A_38 = arith.constant 0 : i32
      %dma_start3A_39 = tpu.memref_slice %arg7[%dma_start3A_37, %dma_start3A_38] : memref<10240x64xf32, #tpu.memory_space<vmem_shared>> -> memref<10240x64xf32, #tpu.memory_space<vmem_shared>>
      tpu.enqueue_indirect_dma source(%dma_start3A_39 : memref<10240x64xf32, #tpu.memory_space<vmem_shared>>) target(%arg13 : memref<128x64xf32, #tpu.memory_space<vmem>>) offsets(%dma_start3A_36 : memref<128xi32, #tpu.memory_space<vmem>>) semaphore(%arg17 : memref<!tpu.dma_semaphore, #tpu.memory_space<semaphore_mem>>)
      %scan3A_40 = arith.constant 0 : i32
      %scan3A_41 = arith.constant 0 : i32
      %scan3A_42 = arith.constant 10 : i32
      %scan3A_43 = arith.addi %scan3A_41, %scan3A_42 : i32
      %scan3A_44 = arith.constant 1 : i32
      scf.for %scan3A_59 = %scan3A_41 to %scan3A_43 step %scan3A_44  : i32 {
        %mul3A_60 = arith.constant 4 : i32
        %mul3A_61 = arith.muli %scan3A_59, %mul3A_60 : i32
        %add3A = arith.constant 0 : i32
        %add3A_62 = arith.addi %mul3A_61, %add3A : i32
        %dma_wait3A_63 = arith.constant 0 : i32
        %dma_wait3A_64 = arith.constant 0 : i32
        %dma_wait3A_65 = tpu.memref_slice %arg8[%dma_wait3A_63, %dma_wait3A_64] : memref<40x128xi32, #tpu.memory_space<vmem>> -> memref<1x128xi32, #tpu.memory_space<vmem>>
        %dma_wait3A_66 = tpu.memref_squeeze %dma_wait3A_65 : memref<1x128xi32, #tpu.memory_space<vmem>> -> memref<128xi32, #tpu.memory_space<vmem>>
        %dma_wait3A_67 = arith.constant 0 : i32
        %dma_wait3A_68 = arith.constant 0 : i32
        %dma_wait3A_69 = tpu.memref_slice %arg7[%dma_wait3A_67, %dma_wait3A_68] : memref<10240x64xf32, #tpu.memory_space<vmem_shared>> -> memref<10240x64xf32, #tpu.memory_space<vmem_shared>>
        tpu.wait_indirect_dma semaphore(%arg14 : memref<!tpu.dma_semaphore, #tpu.memory_space<semaphore_mem>>) src(%dma_wait3A_69 : memref<10240x64xf32, #tpu.memory_space<vmem_shared>>) dst(%arg10 : memref<128x64xf32, #tpu.memory_space<vmem>>)
        %dma_start3A_70 = arith.constant 0 : i32
        %dma_start3A_71 = tpu.memref_slice %arg9[%add3A_62, %dma_start3A_70] : memref<40x128xi32, #tpu.memory_space<vmem>> -> memref<1x128xi32, #tpu.memory_space<vmem>>
        %dma_start3A_72 = tpu.memref_squeeze %dma_start3A_71 : memref<1x128xi32, #tpu.memory_space<vmem>> -> memref<128xi32, #tpu.memory_space<vmem>>
        %dma_start3A_73 = arith.constant 0 : i32
        %dma_start3A_74 = arith.constant 0 : i32
        %dma_start3A_75 = tpu.memref_slice %arg6[%dma_start3A_73, %dma_start3A_74] : memref<10240x64xf32, #tpu.memory_space<vmem_shared>> -> memref<10240x64xf32, #tpu.memory_space<vmem_shared>>
        tpu.enqueue_indirect_dma source(%arg10 : memref<128x64xf32, #tpu.memory_space<vmem>>) target(%dma_start3A_75 : memref<10240x64xf32, #tpu.memory_space<vmem_shared>>) offsets(%dma_start3A_72 : memref<128xi32, #tpu.memory_space<vmem>>) semaphore(%arg18 : memref<!tpu.dma_semaphore, #tpu.memory_space<semaphore_mem>>) {add = true}
        %sub3A = arith.constant 2 : i32
        %sub3A_76 = arith.subi %add3A_62, %sub3A : i32
        %ge3A = arith.constant 0 : i32
        %ge3A_77 = arith.cmpi sge, %sub3A_76, %ge3A : i32
        %convert_element_type3A = arith.extui %ge3A_77 : i1 to i32
        %cond3A = arith.constant 0 : i32
        %cond3A_78 = arith.cmpi ne, %convert_element_type3A, %cond3A : i32
        scf.if %cond3A_78 {
          %dma_wait3A_145 = arith.constant 0 : i32
          %dma_wait3A_146 = arith.constant 0 : i32
          %dma_wait3A_147 = tpu.memref_slice %arg9[%dma_wait3A_145, %dma_wait3A_146] : memref<40x128xi32, #tpu.memory_space<vmem>> -> memref<1x128xi32, #tpu.memory_space<vmem>>
          %dma_wait3A_148 = tpu.memref_squeeze %dma_wait3A_147 : memref<1x128xi32, #tpu.memory_space<vmem>> -> memref<128xi32, #tpu.memory_space<vmem>>
          %dma_wait3A_149 = arith.constant 0 : i32
          %dma_wait3A_150 = arith.constant 0 : i32
          %dma_wait3A_151 = tpu.memref_slice %arg6[%dma_wait3A_149, %dma_wait3A_150] : memref<10240x64xf32, #tpu.memory_space<vmem_shared>> -> memref<10240x64xf32, #tpu.memory_space<vmem_shared>>
          tpu.wait_indirect_dma semaphore(%arg20 : memref<!tpu.dma_semaphore, #tpu.memory_space<semaphore_mem>>) src(%arg12 : memref<128x64xf32, #tpu.memory_space<vmem>>) dst(%dma_wait3A_151 : memref<10240x64xf32, #tpu.memory_space<vmem_shared>>)
          %add3A_152 = arith.constant 4 : i32
          %add3A_153 = arith.addi %sub3A_76, %add3A_152 : i32
          %lt3A = arith.constant 40 : i32
          %lt3A_154 = arith.cmpi slt, %add3A_153, %lt3A : i32
          %convert_element_type3A_155 = arith.extui %lt3A_154 : i1 to i32
          %cond3A_156 = arith.constant 0 : i32
          %cond3A_157 = arith.cmpi ne, %convert_element_type3A_155, %cond3A_156 : i32
          scf.if %cond3A_157 {
            %add3A_158 = arith.constant 4 : i32
            %add3A_159 = arith.addi %sub3A_76, %add3A_158 : i32
            %dma_start3A_160 = arith.constant 0 : i32
            %dma_start3A_161 = tpu.memref_slice %arg8[%add3A_159, %dma_start3A_160] : memref<40x128xi32, #tpu.memory_space<vmem>> -> memref<1x128xi32, #tpu.memory_space<vmem>>
            %dma_start3A_162 = tpu.memref_squeeze %dma_start3A_161 : memref<1x128xi32, #tpu.memory_space<vmem>> -> memref<128xi32, #tpu.memory_space<vmem>>
            %dma_start3A_163 = arith.constant 0 : i32
            %dma_start3A_164 = arith.constant 0 : i32
            %dma_start3A_165 = tpu.memref_slice %arg7[%dma_start3A_163, %dma_start3A_164] : memref<10240x64xf32, #tpu.memory_space<vmem_shared>> -> memref<10240x64xf32, #tpu.memory_space<vmem_shared>>
            tpu.enqueue_indirect_dma source(%dma_start3A_165 : memref<10240x64xf32, #tpu.memory_space<vmem_shared>>) target(%arg12 : memref<128x64xf32, #tpu.memory_space<vmem>>) offsets(%dma_start3A_162 : memref<128xi32, #tpu.memory_space<vmem>>) semaphore(%arg16 : memref<!tpu.dma_semaphore, #tpu.memory_space<semaphore_mem>>)
          } else {
          }
        } else {
        }
        %add3A_79 = arith.constant 1 : i32
        %add3A_80 = arith.addi %mul3A_61, %add3A_79 : i32
        %dma_wait3A_81 = arith.constant 0 : i32
        %dma_wait3A_82 = arith.constant 0 : i32
        %dma_wait3A_83 = tpu.memref_slice %arg8[%dma_wait3A_81, %dma_wait3A_82] : memref<40x128xi32, #tpu.memory_space<vmem>> -> memref<1x128xi32, #tpu.memory_space<vmem>>
        %dma_wait3A_84 = tpu.memref_squeeze %dma_wait3A_83 : memref<1x128xi32, #tpu.memory_space<vmem>> -> memref<128xi32, #tpu.memory_space<vmem>>
        %dma_wait3A_85 = arith.constant 0 : i32
        %dma_wait3A_86 = arith.constant 0 : i32
        %dma_wait3A_87 = tpu.memref_slice %arg7[%dma_wait3A_85, %dma_wait3A_86] : memref<10240x64xf32, #tpu.memory_space<vmem_shared>> -> memref<10240x64xf32, #tpu.memory_space<vmem_shared>>
        tpu.wait_indirect_dma semaphore(%arg15 : memref<!tpu.dma_semaphore, #tpu.memory_space<semaphore_mem>>) src(%dma_wait3A_87 : memref<10240x64xf32, #tpu.memory_space<vmem_shared>>) dst(%arg11 : memref<128x64xf32, #tpu.memory_space<vmem>>)
        %dma_start3A_88 = arith.constant 0 : i32
        %dma_start3A_89 = tpu.memref_slice %arg9[%add3A_80, %dma_start3A_88] : memref<40x128xi32, #tpu.memory_space<vmem>> -> memref<1x128xi32, #tpu.memory_space<vmem>>
        %dma_start3A_90 = tpu.memref_squeeze %dma_start3A_89 : memref<1x128xi32, #tpu.memory_space<vmem>> -> memref<128xi32, #tpu.memory_space<vmem>>
        %dma_start3A_91 = arith.constant 0 : i32
        %dma_start3A_92 = arith.constant 0 : i32
        %dma_start3A_93 = tpu.memref_slice %arg6[%dma_start3A_91, %dma_start3A_92] : memref<10240x64xf32, #tpu.memory_space<vmem_shared>> -> memref<10240x64xf32, #tpu.memory_space<vmem_shared>>
        tpu.enqueue_indirect_dma source(%arg11 : memref<128x64xf32, #tpu.memory_space<vmem>>) target(%dma_start3A_93 : memref<10240x64xf32, #tpu.memory_space<vmem_shared>>) offsets(%dma_start3A_90 : memref<128xi32, #tpu.memory_space<vmem>>) semaphore(%arg19 : memref<!tpu.dma_semaphore, #tpu.memory_space<semaphore_mem>>) {add = true}
        %sub3A_94 = arith.constant 2 : i32
        %sub3A_95 = arith.subi %add3A_80, %sub3A_94 : i32
        %ge3A_96 = arith.constant 0 : i32
        %ge3A_97 = arith.cmpi sge, %sub3A_95, %ge3A_96 : i32
        %convert_element_type3A_98 = arith.extui %ge3A_97 : i1 to i32
        %cond3A_99 = arith.constant 0 : i32
        %cond3A_100 = arith.cmpi ne, %convert_element_type3A_98, %cond3A_99 : i32
        scf.if %cond3A_100 {
          %dma_wait3A_145 = arith.constant 0 : i32
          %dma_wait3A_146 = arith.constant 0 : i32
          %dma_wait3A_147 = tpu.memref_slice %arg9[%dma_wait3A_145, %dma_wait3A_146] : memref<40x128xi32, #tpu.memory_space<vmem>> -> memref<1x128xi32, #tpu.memory_space<vmem>>
          %dma_wait3A_148 = tpu.memref_squeeze %dma_wait3A_147 : memref<1x128xi32, #tpu.memory_space<vmem>> -> memref<128xi32, #tpu.memory_space<vmem>>
          %dma_wait3A_149 = arith.constant 0 : i32
          %dma_wait3A_150 = arith.constant 0 : i32
          %dma_wait3A_151 = tpu.memref_slice %arg6[%dma_wait3A_149, %dma_wait3A_150] : memref<10240x64xf32, #tpu.memory_space<vmem_shared>> -> memref<10240x64xf32, #tpu.memory_space<vmem_shared>>
          tpu.wait_indirect_dma semaphore(%arg21 : memref<!tpu.dma_semaphore, #tpu.memory_space<semaphore_mem>>) src(%arg13 : memref<128x64xf32, #tpu.memory_space<vmem>>) dst(%dma_wait3A_151 : memref<10240x64xf32, #tpu.memory_space<vmem_shared>>)
          %add3A_152 = arith.constant 4 : i32
          %add3A_153 = arith.addi %sub3A_95, %add3A_152 : i32
          %lt3A = arith.constant 40 : i32
          %lt3A_154 = arith.cmpi slt, %add3A_153, %lt3A : i32
          %convert_element_type3A_155 = arith.extui %lt3A_154 : i1 to i32
          %cond3A_156 = arith.constant 0 : i32
          %cond3A_157 = arith.cmpi ne, %convert_element_type3A_155, %cond3A_156 : i32
          scf.if %cond3A_157 {
            %add3A_158 = arith.constant 4 : i32
            %add3A_159 = arith.addi %sub3A_95, %add3A_158 : i32
            %dma_start3A_160 = arith.constant 0 : i32
            %dma_start3A_161 = tpu.memref_slice %arg8[%add3A_159, %dma_start3A_160] : memref<40x128xi32, #tpu.memory_space<vmem>> -> memref<1x128xi32, #tpu.memory_space<vmem>>
            %dma_start3A_162 = tpu.memref_squeeze %dma_start3A_161 : memref<1x128xi32, #tpu.memory_space<vmem>> -> memref<128xi32, #tpu.memory_space<vmem>>
            %dma_start3A_163 = arith.constant 0 : i32
            %dma_start3A_164 = arith.constant 0 : i32
            %dma_start3A_165 = tpu.memref_slice %arg7[%dma_start3A_163, %dma_start3A_164] : memref<10240x64xf32, #tpu.memory_space<vmem_shared>> -> memref<10240x64xf32, #tpu.memory_space<vmem_shared>>
            tpu.enqueue_indirect_dma source(%dma_start3A_165 : memref<10240x64xf32, #tpu.memory_space<vmem_shared>>) target(%arg13 : memref<128x64xf32, #tpu.memory_space<vmem>>) offsets(%dma_start3A_162 : memref<128xi32, #tpu.memory_space<vmem>>) semaphore(%arg17 : memref<!tpu.dma_semaphore, #tpu.memory_space<semaphore_mem>>)
          } else {
          }
        } else {
        }
        %add3A_101 = arith.constant 2 : i32
        %add3A_102 = arith.addi %mul3A_61, %add3A_101 : i32
        %dma_wait3A_103 = arith.constant 0 : i32
        %dma_wait3A_104 = arith.constant 0 : i32
        %dma_wait3A_105 = tpu.memref_slice %arg8[%dma_wait3A_103, %dma_wait3A_104] : memref<40x128xi32, #tpu.memory_space<vmem>> -> memref<1x128xi32, #tpu.memory_space<vmem>>
        %dma_wait3A_106 = tpu.memref_squeeze %dma_wait3A_105 : memref<1x128xi32, #tpu.memory_space<vmem>> -> memref<128xi32, #tpu.memory_space<vmem>>
        %dma_wait3A_107 = arith.constant 0 : i32
        %dma_wait3A_108 = arith.constant 0 : i32
        %dma_wait3A_109 = tpu.memref_slice %arg7[%dma_wait3A_107, %dma_wait3A_108] : memref<10240x64xf32, #tpu.memory_space<vmem_shared>> -> memref<10240x64xf32, #tpu.memory_space<vmem_shared>>
        tpu.wait_indirect_dma semaphore(%arg16 : memref<!tpu.dma_semaphore, #tpu.memory_space<semaphore_mem>>) src(%dma_wait3A_109 : memref<10240x64xf32, #tpu.memory_space<vmem_shared>>) dst(%arg12 : memref<128x64xf32, #tpu.memory_space<vmem>>)
        %dma_start3A_110 = arith.constant 0 : i32
        %dma_start3A_111 = tpu.memref_slice %arg9[%add3A_102, %dma_start3A_110] : memref<40x128xi32, #tpu.memory_space<vmem>> -> memref<1x128xi32, #tpu.memory_space<vmem>>
        %dma_start3A_112 = tpu.memref_squeeze %dma_start3A_111 : memref<1x128xi32, #tpu.memory_space<vmem>> -> memref<128xi32, #tpu.memory_space<vmem>>
        %dma_start3A_113 = arith.constant 0 : i32
        %dma_start3A_114 = arith.constant 0 : i32
        %dma_start3A_115 = tpu.memref_slice %arg6[%dma_start3A_113, %dma_start3A_114] : memref<10240x64xf32, #tpu.memory_space<vmem_shared>> -> memref<10240x64xf32, #tpu.memory_space<vmem_shared>>
        tpu.enqueue_indirect_dma source(%arg12 : memref<128x64xf32, #tpu.memory_space<vmem>>) target(%dma_start3A_115 : memref<10240x64xf32, #tpu.memory_space<vmem_shared>>) offsets(%dma_start3A_112 : memref<128xi32, #tpu.memory_space<vmem>>) semaphore(%arg20 : memref<!tpu.dma_semaphore, #tpu.memory_space<semaphore_mem>>) {add = true}
        %sub3A_116 = arith.constant 2 : i32
        %sub3A_117 = arith.subi %add3A_102, %sub3A_116 : i32
        %ge3A_118 = arith.constant 0 : i32
        %ge3A_119 = arith.cmpi sge, %sub3A_117, %ge3A_118 : i32
        %convert_element_type3A_120 = arith.extui %ge3A_119 : i1 to i32
        %cond3A_121 = arith.constant 0 : i32
        %cond3A_122 = arith.cmpi ne, %convert_element_type3A_120, %cond3A_121 : i32
        scf.if %cond3A_122 {
          %dma_wait3A_145 = arith.constant 0 : i32
          %dma_wait3A_146 = arith.constant 0 : i32
          %dma_wait3A_147 = tpu.memref_slice %arg9[%dma_wait3A_145, %dma_wait3A_146] : memref<40x128xi32, #tpu.memory_space<vmem>> -> memref<1x128xi32, #tpu.memory_space<vmem>>
          %dma_wait3A_148 = tpu.memref_squeeze %dma_wait3A_147 : memref<1x128xi32, #tpu.memory_space<vmem>> -> memref<128xi32, #tpu.memory_space<vmem>>
          %dma_wait3A_149 = arith.constant 0 : i32
          %dma_wait3A_150 = arith.constant 0 : i32
          %dma_wait3A_151 = tpu.memref_slice %arg6[%dma_wait3A_149, %dma_wait3A_150] : memref<10240x64xf32, #tpu.memory_space<vmem_shared>> -> memref<10240x64xf32, #tpu.memory_space<vmem_shared>>
          tpu.wait_indirect_dma semaphore(%arg18 : memref<!tpu.dma_semaphore, #tpu.memory_space<semaphore_mem>>) src(%arg10 : memref<128x64xf32, #tpu.memory_space<vmem>>) dst(%dma_wait3A_151 : memref<10240x64xf32, #tpu.memory_space<vmem_shared>>)
          %add3A_152 = arith.constant 4 : i32
          %add3A_153 = arith.addi %sub3A_117, %add3A_152 : i32
          %lt3A = arith.constant 40 : i32
          %lt3A_154 = arith.cmpi slt, %add3A_153, %lt3A : i32
          %convert_element_type3A_155 = arith.extui %lt3A_154 : i1 to i32
          %cond3A_156 = arith.constant 0 : i32
          %cond3A_157 = arith.cmpi ne, %convert_element_type3A_155, %cond3A_156 : i32
          scf.if %cond3A_157 {
            %add3A_158 = arith.constant 4 : i32
            %add3A_159 = arith.addi %sub3A_117, %add3A_158 : i32
            %dma_start3A_160 = arith.constant 0 : i32
            %dma_start3A_161 = tpu.memref_slice %arg8[%add3A_159, %dma_start3A_160] : memref<40x128xi32, #tpu.memory_space<vmem>> -> memref<1x128xi32, #tpu.memory_space<vmem>>
            %dma_start3A_162 = tpu.memref_squeeze %dma_start3A_161 : memref<1x128xi32, #tpu.memory_space<vmem>> -> memref<128xi32, #tpu.memory_space<vmem>>
            %dma_start3A_163 = arith.constant 0 : i32
            %dma_start3A_164 = arith.constant 0 : i32
            %dma_start3A_165 = tpu.memref_slice %arg7[%dma_start3A_163, %dma_start3A_164] : memref<10240x64xf32, #tpu.memory_space<vmem_shared>> -> memref<10240x64xf32, #tpu.memory_space<vmem_shared>>
            tpu.enqueue_indirect_dma source(%dma_start3A_165 : memref<10240x64xf32, #tpu.memory_space<vmem_shared>>) target(%arg10 : memref<128x64xf32, #tpu.memory_space<vmem>>) offsets(%dma_start3A_162 : memref<128xi32, #tpu.memory_space<vmem>>) semaphore(%arg14 : memref<!tpu.dma_semaphore, #tpu.memory_space<semaphore_mem>>)
          } else {
          }
        } else {
        }
        %add3A_123 = arith.constant 3 : i32
        %add3A_124 = arith.addi %mul3A_61, %add3A_123 : i32
        %dma_wait3A_125 = arith.constant 0 : i32
        %dma_wait3A_126 = arith.constant 0 : i32
        %dma_wait3A_127 = tpu.memref_slice %arg8[%dma_wait3A_125, %dma_wait3A_126] : memref<40x128xi32, #tpu.memory_space<vmem>> -> memref<1x128xi32, #tpu.memory_space<vmem>>
        %dma_wait3A_128 = tpu.memref_squeeze %dma_wait3A_127 : memref<1x128xi32, #tpu.memory_space<vmem>> -> memref<128xi32, #tpu.memory_space<vmem>>
        %dma_wait3A_129 = arith.constant 0 : i32
        %dma_wait3A_130 = arith.constant 0 : i32
        %dma_wait3A_131 = tpu.memref_slice %arg7[%dma_wait3A_129, %dma_wait3A_130] : memref<10240x64xf32, #tpu.memory_space<vmem_shared>> -> memref<10240x64xf32, #tpu.memory_space<vmem_shared>>
        tpu.wait_indirect_dma semaphore(%arg17 : memref<!tpu.dma_semaphore, #tpu.memory_space<semaphore_mem>>) src(%dma_wait3A_131 : memref<10240x64xf32, #tpu.memory_space<vmem_shared>>) dst(%arg13 : memref<128x64xf32, #tpu.memory_space<vmem>>)
        %dma_start3A_132 = arith.constant 0 : i32
        %dma_start3A_133 = tpu.memref_slice %arg9[%add3A_124, %dma_start3A_132] : memref<40x128xi32, #tpu.memory_space<vmem>> -> memref<1x128xi32, #tpu.memory_space<vmem>>
        %dma_start3A_134 = tpu.memref_squeeze %dma_start3A_133 : memref<1x128xi32, #tpu.memory_space<vmem>> -> memref<128xi32, #tpu.memory_space<vmem>>
        %dma_start3A_135 = arith.constant 0 : i32
        %dma_start3A_136 = arith.constant 0 : i32
        %dma_start3A_137 = tpu.memref_slice %arg6[%dma_start3A_135, %dma_start3A_136] : memref<10240x64xf32, #tpu.memory_space<vmem_shared>> -> memref<10240x64xf32, #tpu.memory_space<vmem_shared>>
        tpu.enqueue_indirect_dma source(%arg13 : memref<128x64xf32, #tpu.memory_space<vmem>>) target(%dma_start3A_137 : memref<10240x64xf32, #tpu.memory_space<vmem_shared>>) offsets(%dma_start3A_134 : memref<128xi32, #tpu.memory_space<vmem>>) semaphore(%arg21 : memref<!tpu.dma_semaphore, #tpu.memory_space<semaphore_mem>>) {add = true}
        %sub3A_138 = arith.constant 2 : i32
        %sub3A_139 = arith.subi %add3A_124, %sub3A_138 : i32
        %ge3A_140 = arith.constant 0 : i32
        %ge3A_141 = arith.cmpi sge, %sub3A_139, %ge3A_140 : i32
        %convert_element_type3A_142 = arith.extui %ge3A_141 : i1 to i32
        %cond3A_143 = arith.constant 0 : i32
        %cond3A_144 = arith.cmpi ne, %convert_element_type3A_142, %cond3A_143 : i32
        scf.if %cond3A_144 {
          %dma_wait3A_145 = arith.constant 0 : i32
          %dma_wait3A_146 = arith.constant 0 : i32
          %dma_wait3A_147 = tpu.memref_slice %arg9[%dma_wait3A_145, %dma_wait3A_146] : memref<40x128xi32, #tpu.memory_space<vmem>> -> memref<1x128xi32, #tpu.memory_space<vmem>>
          %dma_wait3A_148 = tpu.memref_squeeze %dma_wait3A_147 : memref<1x128xi32, #tpu.memory_space<vmem>> -> memref<128xi32, #tpu.memory_space<vmem>>
          %dma_wait3A_149 = arith.constant 0 : i32
          %dma_wait3A_150 = arith.constant 0 : i32
          %dma_wait3A_151 = tpu.memref_slice %arg6[%dma_wait3A_149, %dma_wait3A_150] : memref<10240x64xf32, #tpu.memory_space<vmem_shared>> -> memref<10240x64xf32, #tpu.memory_space<vmem_shared>>
          tpu.wait_indirect_dma semaphore(%arg19 : memref<!tpu.dma_semaphore, #tpu.memory_space<semaphore_mem>>) src(%arg11 : memref<128x64xf32, #tpu.memory_space<vmem>>) dst(%dma_wait3A_151 : memref<10240x64xf32, #tpu.memory_space<vmem_shared>>)
          %add3A_152 = arith.constant 4 : i32
          %add3A_153 = arith.addi %sub3A_139, %add3A_152 : i32
          %lt3A = arith.constant 40 : i32
          %lt3A_154 = arith.cmpi slt, %add3A_153, %lt3A : i32
          %convert_element_type3A_155 = arith.extui %lt3A_154 : i1 to i32
          %cond3A_156 = arith.constant 0 : i32
          %cond3A_157 = arith.cmpi ne, %convert_element_type3A_155, %cond3A_156 : i32
          scf.if %cond3A_157 {
            %add3A_158 = arith.constant 4 : i32
            %add3A_159 = arith.addi %sub3A_139, %add3A_158 : i32
            %dma_start3A_160 = arith.constant 0 : i32
            %dma_start3A_161 = tpu.memref_slice %arg8[%add3A_159, %dma_start3A_160] : memref<40x128xi32, #tpu.memory_space<vmem>> -> memref<1x128xi32, #tpu.memory_space<vmem>>
            %dma_start3A_162 = tpu.memref_squeeze %dma_start3A_161 : memref<1x128xi32, #tpu.memory_space<vmem>> -> memref<128xi32, #tpu.memory_space<vmem>>
            %dma_start3A_163 = arith.constant 0 : i32
            %dma_start3A_164 = arith.constant 0 : i32
            %dma_start3A_165 = tpu.memref_slice %arg7[%dma_start3A_163, %dma_start3A_164] : memref<10240x64xf32, #tpu.memory_space<vmem_shared>> -> memref<10240x64xf32, #tpu.memory_space<vmem_shared>>
            tpu.enqueue_indirect_dma source(%dma_start3A_165 : memref<10240x64xf32, #tpu.memory_space<vmem_shared>>) target(%arg11 : memref<128x64xf32, #tpu.memory_space<vmem>>) offsets(%dma_start3A_162 : memref<128xi32, #tpu.memory_space<vmem>>) semaphore(%arg15 : memref<!tpu.dma_semaphore, #tpu.memory_space<semaphore_mem>>)
          } else {
          }
        } else {
        }
      }
      %scan3A_45 = arith.constant 10 : i32
      %dma_wait3A = arith.constant 0 : i32
      %dma_wait3A_46 = arith.constant 0 : i32
      %dma_wait3A_47 = tpu.memref_slice %arg9[%dma_wait3A, %dma_wait3A_46] : memref<40x128xi32, #tpu.memory_space<vmem>> -> memref<1x128xi32, #tpu.memory_space<vmem>>
      %dma_wait3A_48 = tpu.memref_squeeze %dma_wait3A_47 : memref<1x128xi32, #tpu.memory_space<vmem>> -> memref<128xi32, #tpu.memory_space<vmem>>
      %dma_wait3A_49 = arith.constant 0 : i32
      %dma_wait3A_50 = arith.constant 0 : i32
      %dma_wait3A_51 = tpu.memref_slice %arg6[%dma_wait3A_49, %dma_wait3A_50] : memref<10240x64xf32, #tpu.memory_space<vmem_shared>> -> memref<10240x64xf32, #tpu.memory_space<vmem_shared>>
      tpu.wait_indirect_dma semaphore(%arg20 : memref<!tpu.dma_semaphore, #tpu.memory_space<semaphore_mem>>) src(%arg12 : memref<128x64xf32, #tpu.memory_space<vmem>>) dst(%dma_wait3A_51 : memref<10240x64xf32, #tpu.memory_space<vmem_shared>>)
      %dma_wait3A_52 = arith.constant 0 : i32
      %dma_wait3A_53 = arith.constant 0 : i32
      %dma_wait3A_54 = tpu.memref_slice %arg9[%dma_wait3A_52, %dma_wait3A_53] : memref<40x128xi32, #tpu.memory_space<vmem>> -> memref<1x128xi32, #tpu.memory_space<vmem>>
      %dma_wait3A_55 = tpu.memref_squeeze %dma_wait3A_54 : memref<1x128xi32, #tpu.memory_space<vmem>> -> memref<128xi32, #tpu.memory_space<vmem>>
      %dma_wait3A_56 = arith.constant 0 : i32
      %dma_wait3A_57 = arith.constant 0 : i32
      %dma_wait3A_58 = tpu.memref_slice %arg6[%dma_wait3A_56, %dma_wait3A_57] : memref<10240x64xf32, #tpu.memory_space<vmem_shared>> -> memref<10240x64xf32, #tpu.memory_space<vmem_shared>>
      tpu.wait_indirect_dma semaphore(%arg21 : memref<!tpu.dma_semaphore, #tpu.memory_space<semaphore_mem>>) src(%arg13 : memref<128x64xf32, #tpu.memory_space<vmem>>) dst(%dma_wait3A_58 : memref<10240x64xf32, #tpu.memory_space<vmem_shared>>)
    }
    %scan3A_5 = arith.constant 4 : i32
    %barrier3A_6 = arith.constant 0 : index
    tpu.barrier barrier_id(%barrier3A_6)
    "tpu.region"() ({
      %run_scoped3A = tpu.sem_alloc : memref<!tpu.dma_semaphore, #tpu.memory_space<semaphore_mem>>
      %dma_start3A = arith.constant 0 : i32
      %dma_start3A_7 = tpu.memref_slice %arg5[%arg0, %mul3A_0, %dma_start3A] : memref<2x10240x64xf32, #tpu.memory_space<hbm>> -> memref<1x640x64xf32, #tpu.memory_space<hbm>>
      %dma_start3A_8 = tpu.memref_squeeze %dma_start3A_7 : memref<1x640x64xf32, #tpu.memory_space<hbm>> -> memref<640x64xf32, #tpu.memory_space<hbm>>
      %dma_start3A_9 = arith.constant 0 : i32
      %dma_start3A_10 = tpu.memref_slice %arg6[%mul3A_0, %dma_start3A_9] : memref<10240x64xf32, #tpu.memory_space<vmem_shared>> -> memref<640x64xf32, #tpu.memory_space<vmem_shared>>
      tpu.enqueue_dma source(%dma_start3A_10 : memref<640x64xf32, #tpu.memory_space<vmem_shared>>) target(%dma_start3A_8 : memref<640x64xf32, #tpu.memory_space<hbm>>) target_semaphore(%run_scoped3A : memref<!tpu.dma_semaphore, #tpu.memory_space<semaphore_mem>>)
      %dma_wait3A = arith.constant 0 : i32
      %dma_wait3A_11 = tpu.memref_slice %arg5[%arg0, %mul3A_0, %dma_wait3A] : memref<2x10240x64xf32, #tpu.memory_space<hbm>> -> memref<1x640x64xf32, #tpu.memory_space<hbm>>
      %dma_wait3A_12 = tpu.memref_squeeze %dma_wait3A_11 : memref<1x640x64xf32, #tpu.memory_space<hbm>> -> memref<640x64xf32, #tpu.memory_space<hbm>>
      %dma_wait3A_13 = arith.constant 0 : i32
      %dma_wait3A_14 = tpu.memref_slice %arg6[%mul3A_0, %dma_wait3A_13] : memref<10240x64xf32, #tpu.memory_space<vmem_shared>> -> memref<640x64xf32, #tpu.memory_space<vmem_shared>>
      tpu.wait_dma2 semaphore(%run_scoped3A : memref<!tpu.dma_semaphore, #tpu.memory_space<semaphore_mem>>) src(%dma_wait3A_14 : memref<640x64xf32, #tpu.memory_space<vmem_shared>>) dst(%dma_wait3A_12 : memref<640x64xf32, #tpu.memory_space<hbm>>)
      tpu.yield
    }) : () -> ()
    return
  }
}

#map = affine_map<(d0, d1) -> (0, 0, 0, 0)>
#map1 = affine_map<(d0, d1) -> (0, 0)>
#map2 = affine_map<(d0, d1) -> (0, 0, 0)>
module attributes {stable_mosaic.version = 14 : i64} {
  func.func @k(%arg0: i32, %arg1: i32, %arg2: memref<2x16x160x128xi32, #tpu.memory_space<hbm>>, %arg3: memref<10240x16xf32, #tpu.memory_space<hbm>>, %arg4: memref<128x16xf32, #tpu.memory_space<hbm>>, %arg5: memref<2x10240x16xf32, #tpu.memory_space<hbm>>, %arg6: memref<10240x16xf32, #tpu.memory_space<vmem_shared>>, %arg7: memref<160x128xi32, #tpu.memory_space<vmem>>, %arg8: memref<128x16xf32, #tpu.memory_space<vmem>>) attributes {dimension_semantics = [#tpu.dimension_semantics<core_parallel>, #tpu.dimension_semantics<subcore_parallel>], iteration_bounds = array<i64: 2, 16>, scalar_prefetch = 0 : i64, scratch_operands = 3 : i64, tpu.core_type = #tpu.core_type<sc_vector_subcore>, window_params = [{transform_indices = #map}, {transform_indices = #map1}, {transform_indices = #map1}, {transform_indices = #map2}]} {
    %mul3A = arith.constant 640 : i32
    %mul3A_0 = arith.muli %arg1, %mul3A : i32
    "tpu.region"() ({
      %run_scoped3A_15 = tpu.sem_alloc : memref<!tpu.dma_semaphore, #tpu.memory_space<semaphore_mem>>
      tpu.enqueue_dma source(%arg4 : memref<128x16xf32, #tpu.memory_space<hbm>>) target(%arg8 : memref<128x16xf32, #tpu.memory_space<vmem>>) target_semaphore(%run_scoped3A_15 : memref<!tpu.dma_semaphore, #tpu.memory_space<semaphore_mem>>)
      tpu.wait_dma2 semaphore(%run_scoped3A_15 : memref<!tpu.dma_semaphore, #tpu.memory_space<semaphore_mem>>) src(%arg4 : memref<128x16xf32, #tpu.memory_space<hbm>>) dst(%arg8 : memref<128x16xf32, #tpu.memory_space<vmem>>)
      tpu.yield
    }) : () -> ()
    %run_scoped3A = arith.constant 0 : i32
    "tpu.region"() ({
      %run_scoped3A_15 = tpu.sem_alloc : memref<!tpu.dma_semaphore, #tpu.memory_space<semaphore_mem>>
      %dma_start3A = arith.constant 0 : i32
      %dma_start3A_16 = arith.constant 0 : i32
      %dma_start3A_17 = tpu.memref_slice %arg2[%run_scoped3A, %arg1, %dma_start3A, %dma_start3A_16] : memref<2x16x160x128xi32, #tpu.memory_space<hbm>> -> memref<1x1x160x128xi32, #tpu.memory_space<hbm>>
      %dma_start3A_18 = tpu.memref_squeeze %dma_start3A_17 : memref<1x1x160x128xi32, #tpu.memory_space<hbm>> -> memref<160x128xi32, #tpu.memory_space<hbm>>
      %dma_start3A_19 = arith.constant 0 : i32
      %dma_start3A_20 = arith.constant 0 : i32
      %dma_start3A_21 = tpu.memref_slice %arg2[%run_scoped3A, %arg1, %dma_start3A_19, %dma_start3A_20] : memref<2x16x160x128xi32, #tpu.memory_space<hbm>> -> memref<1x1x160x128xi32, #tpu.memory_space<hbm>>
      %dma_start3A_22 = tpu.memref_squeeze %dma_start3A_21 : memref<1x1x160x128xi32, #tpu.memory_space<hbm>> -> memref<160x128xi32, #tpu.memory_space<hbm>>
      tpu.enqueue_dma source(%dma_start3A_22 : memref<160x128xi32, #tpu.memory_space<hbm>>) target(%arg7 : memref<160x128xi32, #tpu.memory_space<vmem>>) target_semaphore(%run_scoped3A_15 : memref<!tpu.dma_semaphore, #tpu.memory_space<semaphore_mem>>)
      %dma_wait3A = arith.constant 0 : i32
      %dma_wait3A_23 = arith.constant 0 : i32
      %dma_wait3A_24 = tpu.memref_slice %arg2[%run_scoped3A, %arg1, %dma_wait3A, %dma_wait3A_23] : memref<2x16x160x128xi32, #tpu.memory_space<hbm>> -> memref<1x1x160x128xi32, #tpu.memory_space<hbm>>
      %dma_wait3A_25 = tpu.memref_squeeze %dma_wait3A_24 : memref<1x1x160x128xi32, #tpu.memory_space<hbm>> -> memref<160x128xi32, #tpu.memory_space<hbm>>
      %dma_wait3A_26 = arith.constant 0 : i32
      %dma_wait3A_27 = arith.constant 0 : i32
      %dma_wait3A_28 = tpu.memref_slice %arg2[%run_scoped3A, %arg1, %dma_wait3A_26, %dma_wait3A_27] : memref<2x16x160x128xi32, #tpu.memory_space<hbm>> -> memref<1x1x160x128xi32, #tpu.memory_space<hbm>>
      %dma_wait3A_29 = tpu.memref_squeeze %dma_wait3A_28 : memref<1x1x160x128xi32, #tpu.memory_space<hbm>> -> memref<160x128xi32, #tpu.memory_space<hbm>>
      tpu.wait_dma2 semaphore(%run_scoped3A_15 : memref<!tpu.dma_semaphore, #tpu.memory_space<semaphore_mem>>) src(%dma_wait3A_29 : memref<160x128xi32, #tpu.memory_space<hbm>>) dst(%arg7 : memref<160x128xi32, #tpu.memory_space<vmem>>)
      tpu.yield
    }) : () -> ()
    "tpu.region"() ({
      %run_scoped3A_15 = tpu.sem_alloc : memref<!tpu.dma_semaphore, #tpu.memory_space<semaphore_mem>>
      %dma_start3A = arith.constant 0 : i32
      %dma_start3A_16 = tpu.memref_slice %arg6[%mul3A_0, %dma_start3A] : memref<10240x16xf32, #tpu.memory_space<vmem_shared>> -> memref<640x16xf32, #tpu.memory_space<vmem_shared>>
      %dma_start3A_17 = arith.constant 0 : i32
      %dma_start3A_18 = tpu.memref_slice %arg3[%mul3A_0, %dma_start3A_17] : memref<10240x16xf32, #tpu.memory_space<hbm>> -> memref<640x16xf32, #tpu.memory_space<hbm>>
      tpu.enqueue_dma source(%dma_start3A_18 : memref<640x16xf32, #tpu.memory_space<hbm>>) target(%dma_start3A_16 : memref<640x16xf32, #tpu.memory_space<vmem_shared>>) target_semaphore(%run_scoped3A_15 : memref<!tpu.dma_semaphore, #tpu.memory_space<semaphore_mem>>)
      %dma_wait3A = arith.constant 0 : i32
      %dma_wait3A_19 = tpu.memref_slice %arg6[%mul3A_0, %dma_wait3A] : memref<10240x16xf32, #tpu.memory_space<vmem_shared>> -> memref<640x16xf32, #tpu.memory_space<vmem_shared>>
      %dma_wait3A_20 = arith.constant 0 : i32
      %dma_wait3A_21 = tpu.memref_slice %arg3[%mul3A_0, %dma_wait3A_20] : memref<10240x16xf32, #tpu.memory_space<hbm>> -> memref<640x16xf32, #tpu.memory_space<hbm>>
      tpu.wait_dma2 semaphore(%run_scoped3A_15 : memref<!tpu.dma_semaphore, #tpu.memory_space<semaphore_mem>>) src(%dma_wait3A_21 : memref<640x16xf32, #tpu.memory_space<hbm>>) dst(%dma_wait3A_19 : memref<640x16xf32, #tpu.memory_space<vmem_shared>>)
      tpu.yield
    }) : () -> ()
    %barrier3A = arith.constant 0 : index
    tpu.barrier barrier_id(%barrier3A)
    %mul3A_1 = arith.constant 80 : i32
    %mul3A_2 = arith.muli %arg0, %mul3A_1 : i32
    %mul3A_3 = arith.constant 80 : i32
    %mul3A_4 = arith.muli %arg0, %mul3A_3 : i32
    %add3A = arith.constant 80 : i32
    %add3A_5 = arith.addi %mul3A_4, %add3A : i32
    %while3A = arith.constant 0 : i32
    %while3A_6 = arith.subi %add3A_5, %mul3A_2 : i32
    %while3A_7 = arith.addi %mul3A_2, %while3A_6 : i32
    %while3A_8 = arith.constant 1 : i32
    %while3A_9 = arith.divsi %while3A_6, %while3A_8 : i32
    %while3A_10 = arith.muli %while3A_9, %while3A_8 : i32
    %while3A_11 = arith.addi %mul3A_2, %while3A_10 : i32
    %while3A_12 = arith.constant 1 : i32
    scf.for %while3A_15 = %mul3A_2 to %while3A_11 step %while3A_12  : i32 {
      "tpu.region"() ({
        %run_scoped3A_16 = tpu.sem_alloc : memref<!tpu.dma_semaphore, #tpu.memory_space<semaphore_mem>>
        %dma_start3A = arith.constant 0 : i32
        %dma_start3A_17 = tpu.memref_slice %arg7[%while3A_15, %dma_start3A] : memref<160x128xi32, #tpu.memory_space<vmem>> -> memref<1x128xi32, #tpu.memory_space<vmem>>
        %dma_start3A_18 = tpu.memref_squeeze %dma_start3A_17 : memref<1x128xi32, #tpu.memory_space<vmem>> -> memref<128xi32, #tpu.memory_space<vmem>>
        %dma_start3A_19 = arith.constant 0 : i32
        %dma_start3A_20 = arith.constant 0 : i32
        %dma_start3A_21 = tpu.memref_slice %arg6[%dma_start3A_19, %dma_start3A_20] : memref<10240x16xf32, #tpu.memory_space<vmem_shared>> -> memref<10240x16xf32, #tpu.memory_space<vmem_shared>>
        tpu.enqueue_indirect_dma source(%arg8 : memref<128x16xf32, #tpu.memory_space<vmem>>) target(%dma_start3A_21 : memref<10240x16xf32, #tpu.memory_space<vmem_shared>>) offsets(%dma_start3A_18 : memref<128xi32, #tpu.memory_space<vmem>>) semaphore(%run_scoped3A_16 : memref<!tpu.dma_semaphore, #tpu.memory_space<semaphore_mem>>) {add = true}
        %dma_wait3A = arith.constant 0 : i32
        %dma_wait3A_22 = tpu.memref_slice %arg7[%while3A_15, %dma_wait3A] : memref<160x128xi32, #tpu.memory_space<vmem>> -> memref<1x128xi32, #tpu.memory_space<vmem>>
        %dma_wait3A_23 = tpu.memref_squeeze %dma_wait3A_22 : memref<1x128xi32, #tpu.memory_space<vmem>> -> memref<128xi32, #tpu.memory_space<vmem>>
        %dma_wait3A_24 = arith.constant 0 : i32
        %dma_wait3A_25 = arith.constant 0 : i32
        %dma_wait3A_26 = tpu.memref_slice %arg6[%dma_wait3A_24, %dma_wait3A_25] : memref<10240x16xf32, #tpu.memory_space<vmem_shared>> -> memref<10240x16xf32, #tpu.memory_space<vmem_shared>>
        tpu.wait_indirect_dma semaphore(%run_scoped3A_16 : memref<!tpu.dma_semaphore, #tpu.memory_space<semaphore_mem>>) src(%arg8 : memref<128x16xf32, #tpu.memory_space<vmem>>) dst(%dma_wait3A_26 : memref<10240x16xf32, #tpu.memory_space<vmem_shared>>)
        tpu.yield
      }) : () -> ()
    }
    %while3A_13 = arith.constant 1 : i32
    scf.for %while3A_15 = %while3A_11 to %while3A_7 step %while3A_13  : i32 {
      "tpu.region"() ({
        %run_scoped3A_16 = tpu.sem_alloc : memref<!tpu.dma_semaphore, #tpu.memory_space<semaphore_mem>>
        %dma_start3A = arith.constant 0 : i32
        %dma_start3A_17 = tpu.memref_slice %arg7[%while3A_15, %dma_start3A] : memref<160x128xi32, #tpu.memory_space<vmem>> -> memref<1x128xi32, #tpu.memory_space<vmem>>
        %dma_start3A_18 = tpu.memref_squeeze %dma_start3A_17 : memref<1x128xi32, #tpu.memory_space<vmem>> -> memref<128xi32, #tpu.memory_space<vmem>>
        %dma_start3A_19 = arith.constant 0 : i32
        %dma_start3A_20 = arith.constant 0 : i32
        %dma_start3A_21 = tpu.memref_slice %arg6[%dma_start3A_19, %dma_start3A_20] : memref<10240x16xf32, #tpu.memory_space<vmem_shared>> -> memref<10240x16xf32, #tpu.memory_space<vmem_shared>>
        tpu.enqueue_indirect_dma source(%arg8 : memref<128x16xf32, #tpu.memory_space<vmem>>) target(%dma_start3A_21 : memref<10240x16xf32, #tpu.memory_space<vmem_shared>>) offsets(%dma_start3A_18 : memref<128xi32, #tpu.memory_space<vmem>>) semaphore(%run_scoped3A_16 : memref<!tpu.dma_semaphore, #tpu.memory_space<semaphore_mem>>) {add = true}
        %dma_wait3A = arith.constant 0 : i32
        %dma_wait3A_22 = tpu.memref_slice %arg7[%while3A_15, %dma_wait3A] : memref<160x128xi32, #tpu.memory_space<vmem>> -> memref<1x128xi32, #tpu.memory_space<vmem>>
        %dma_wait3A_23 = tpu.memref_squeeze %dma_wait3A_22 : memref<1x128xi32, #tpu.memory_space<vmem>> -> memref<128xi32, #tpu.memory_space<vmem>>
        %dma_wait3A_24 = arith.constant 0 : i32
        %dma_wait3A_25 = arith.constant 0 : i32
        %dma_wait3A_26 = tpu.memref_slice %arg6[%dma_wait3A_24, %dma_wait3A_25] : memref<10240x16xf32, #tpu.memory_space<vmem_shared>> -> memref<10240x16xf32, #tpu.memory_space<vmem_shared>>
        tpu.wait_indirect_dma semaphore(%run_scoped3A_16 : memref<!tpu.dma_semaphore, #tpu.memory_space<semaphore_mem>>) src(%arg8 : memref<128x16xf32, #tpu.memory_space<vmem>>) dst(%dma_wait3A_26 : memref<10240x16xf32, #tpu.memory_space<vmem_shared>>)
        tpu.yield
      }) : () -> ()
    }
    %barrier3A_14 = arith.constant 0 : index
    tpu.barrier barrier_id(%barrier3A_14)
    "tpu.region"() ({
      %run_scoped3A_15 = tpu.sem_alloc : memref<!tpu.dma_semaphore, #tpu.memory_space<semaphore_mem>>
      %dma_start3A = arith.constant 0 : i32
      %dma_start3A_16 = tpu.memref_slice %arg5[%arg0, %mul3A_0, %dma_start3A] : memref<2x10240x16xf32, #tpu.memory_space<hbm>> -> memref<1x640x16xf32, #tpu.memory_space<hbm>>
      %dma_start3A_17 = tpu.memref_squeeze %dma_start3A_16 : memref<1x640x16xf32, #tpu.memory_space<hbm>> -> memref<640x16xf32, #tpu.memory_space<hbm>>
      %dma_start3A_18 = arith.constant 0 : i32
      %dma_start3A_19 = tpu.memref_slice %arg6[%mul3A_0, %dma_start3A_18] : memref<10240x16xf32, #tpu.memory_space<vmem_shared>> -> memref<640x16xf32, #tpu.memory_space<vmem_shared>>
      tpu.enqueue_dma source(%dma_start3A_19 : memref<640x16xf32, #tpu.memory_space<vmem_shared>>) target(%dma_start3A_17 : memref<640x16xf32, #tpu.memory_space<hbm>>) target_semaphore(%run_scoped3A_15 : memref<!tpu.dma_semaphore, #tpu.memory_space<semaphore_mem>>)
      %dma_wait3A = arith.constant 0 : i32
      %dma_wait3A_20 = tpu.memref_slice %arg5[%arg0, %mul3A_0, %dma_wait3A] : memref<2x10240x16xf32, #tpu.memory_space<hbm>> -> memref<1x640x16xf32, #tpu.memory_space<hbm>>
      %dma_wait3A_21 = tpu.memref_squeeze %dma_wait3A_20 : memref<1x640x16xf32, #tpu.memory_space<hbm>> -> memref<640x16xf32, #tpu.memory_space<hbm>>
      %dma_wait3A_22 = arith.constant 0 : i32
      %dma_wait3A_23 = tpu.memref_slice %arg6[%mul3A_0, %dma_wait3A_22] : memref<10240x16xf32, #tpu.memory_space<vmem_shared>> -> memref<640x16xf32, #tpu.memory_space<vmem_shared>>
      tpu.wait_dma2 semaphore(%run_scoped3A_15 : memref<!tpu.dma_semaphore, #tpu.memory_space<semaphore_mem>>) src(%dma_wait3A_23 : memref<640x16xf32, #tpu.memory_space<vmem_shared>>) dst(%dma_wait3A_21 : memref<640x16xf32, #tpu.memory_space<hbm>>)
      tpu.yield
    }) : () -> ()
    return
  }
}

module attributes {stable_mosaic.version = 14 : i64} {
  func.func @_mm1a_body(%arg0: i32, %arg1: memref<640x128xf32, #tpu.memory_space<vmem>>, %arg2: memref<128x128xf32, #tpu.memory_space<vmem>>, %arg3: memref<1x128xf32, #tpu.memory_space<vmem>>, %arg4: memref<640x128xf32, #tpu.memory_space<vmem>>) attributes {dimension_semantics = [#tpu.dimension_semantics<arbitrary>], iteration_bounds = array<i64: 16>, scalar_prefetch = 0 : i64, scratch_operands = 0 : i64, tpu.core_type = #tpu.core_type<tc>, window_params = [{transform_indices = @transform_0, window_bounds = array<i64: 640, 128>}, {pipeline_mode = #tpu.pipeline_mode<synchronous>, transform_indices = @transform_1, window_bounds = array<i64: 128, 128>}, {pipeline_mode = #tpu.pipeline_mode<synchronous>, transform_indices = @transform_2, window_bounds = array<i64: 1, 128>}, {transform_indices = @transform_3, window_bounds = array<i64: 640, 128>}]} {
    %get3A = arith.constant 0 : index
    %get3A_0 = arith.constant 0 : index
    %get3A_1 = vector.load %arg1[%get3A, %get3A_0] : memref<640x128xf32, #tpu.memory_space<vmem>>, vector<640x128xf32>
    %get3A_2 = arith.constant 0 : index
    %get3A_3 = arith.constant 0 : index
    %get3A_4 = vector.load %arg2[%get3A_2, %get3A_3] : memref<128x128xf32, #tpu.memory_space<vmem>>, vector<128x128xf32>
    %dot_general3A = arith.constant dense<0.000000e+00> : vector<640x128xf32>
    %dot_general3A_5 = tpu.matmul %get3A_1, %get3A_4, %dot_general3A {dimension_numbers = #tpu.dot_dimension_numbers<[1], [0], [0], [1], [0, 0, 1, 1], [], []>, transpose_lhs_hint = false} : vector<640x128xf32>, vector<128x128xf32>, vector<640x128xf32> -> vector<640x128xf32>
    %get3A_6 = arith.constant 0 : index
    %get3A_7 = arith.constant 0 : index
    %get3A_8 = vector.load %arg3[%get3A_6, %get3A_7] : memref<1x128xf32, #tpu.memory_space<vmem>>, vector<1x128xf32>
    %add3A = vector.broadcast %get3A_8 : vector<1x128xf32> to vector<640x128xf32>
    %add3A_9 = arith.addf %dot_general3A_5, %add3A : vector<640x128xf32>
    %max3A = arith.constant 0.000000e+00 : f32
    %max3A_10 = vector.broadcast %max3A : f32 to vector<640x128xf32>
    %max3A_11 = arith.maximumf %add3A_9, %max3A_10 : vector<640x128xf32>
    %swap3A = arith.constant 0 : index
    %swap3A_12 = arith.constant 0 : index
    %swap3A_13 = vector.load %arg4[%swap3A, %swap3A_12] : memref<640x128xf32, #tpu.memory_space<vmem>>, vector<640x128xf32>
    tpu.vector_store %arg4[%swap3A, %swap3A_12], %max3A_11 {strides = array<i32>} : memref<640x128xf32, #tpu.memory_space<vmem>>, vector<640x128xf32>,
    return
  }
  func.func @transform_0(%arg0: i32) -> (i32, i32) {
    %c0_i32 = arith.constant 0 : i32
    %c0_i32_0 = arith.constant 0 : i32
    return %arg0, %c0_i32 : i32, i32
  }
  func.func @transform_1(%arg0: i32) -> (i32, i32) {
    %c0_i32 = arith.constant 0 : i32
    %c0_i32_0 = arith.constant 0 : i32
    %c0_i32_1 = arith.constant 0 : i32
    return %c0_i32, %c0_i32_0 : i32, i32
  }
  func.func @transform_2(%arg0: i32) -> (i32, i32) {
    %c0_i32 = arith.constant 0 : i32
    %c0_i32_0 = arith.constant 0 : i32
    %c0_i32_1 = arith.constant 0 : i32
    return %c0_i32, %c0_i32_0 : i32, i32
  }
  func.func @transform_3(%arg0: i32) -> (i32, i32) {
    %c0_i32 = arith.constant 0 : i32
    %c0_i32_0 = arith.constant 0 : i32
    return %arg0, %c0_i32 : i32, i32
  }
}

module attributes {stable_mosaic.version = 14 : i64} {
  func.func @_mm1b_body(%arg0: i32, %arg1: memref<640x128xf32, #tpu.memory_space<vmem>>, %arg2: memref<2x640x16xf32, #tpu.memory_space<vmem>>, %arg3: memref<2x640x64xf32, #tpu.memory_space<vmem>>) attributes {dimension_semantics = [#tpu.dimension_semantics<arbitrary>], iteration_bounds = array<i64: 16>, scalar_prefetch = 0 : i64, scratch_operands = 0 : i64, tpu.core_type = #tpu.core_type<tc>, window_params = [{transform_indices = @transform_0, window_bounds = array<i64: 640, 128>}, {transform_indices = @transform_1, window_bounds = array<i64: 2, 640, 16>}, {transform_indices = @transform_2, window_bounds = array<i64: 2, 640, 64>}]} {
    %get3A = arith.constant 0 : index
    %get3A_0 = arith.constant 0 : index
    %get3A_1 = arith.constant 0 : index
    %get3A_2 = vector.load %arg2[%get3A, %get3A_0, %get3A_1] : memref<2x640x16xf32, #tpu.memory_space<vmem>>, vector<2x640x16xf32>
    %slice3A = vector.extract_strided_slice %get3A_2 {offsets = [0, 0, 0], sizes = [1, 640, 1], strides = [1, 1, 1]} : vector<2x640x16xf32> to vector<1x640x1xf32>
    %squeeze3A = vector.shape_cast %slice3A : vector<1x640x1xf32> to vector<640xf32>
    %slice3A_3 = vector.extract_strided_slice %get3A_2 {offsets = [1, 0, 0], sizes = [1, 640, 1], strides = [1, 1, 1]} : vector<2x640x16xf32> to vector<1x640x1xf32>
    %squeeze3A_4 = vector.shape_cast %slice3A_3 : vector<1x640x1xf32> to vector<640xf32>
    %add3A = arith.addf %squeeze3A, %squeeze3A_4 : vector<640xf32>
    %gt3A = arith.constant 0.000000e+00 : f32
    %gt3A_5 = vector.broadcast %gt3A : f32 to vector<640xf32>
    %gt3A_6 = arith.cmpf ogt, %add3A, %gt3A_5 : vector<640xf32>
    %jit3A = arith.constant 1.000000e+00 : f32
    %broadcast_in_dim3A = vector.broadcast %jit3A : f32 to vector<640xf32>
    %select_n3A = arith.select %gt3A_6, %add3A, %broadcast_in_dim3A : vector<640xi1>, vector<640xf32>
    %gt3A_7 = arith.constant 0.000000e+00 : f32
    %gt3A_8 = vector.broadcast %gt3A_7 : f32 to vector<640xf32>
    %gt3A_9 = arith.cmpf ogt, %add3A, %gt3A_8 : vector<640xf32>
    %rsqrt3A = math.rsqrt %select_n3A : vector<640xf32>
    %jit3A_10 = arith.constant 0.000000e+00 : f32
    %broadcast_in_dim3A_11 = vector.broadcast %jit3A_10 : f32 to vector<640xf32>
    %select_n3A_12 = arith.select %gt3A_9, %rsqrt3A, %broadcast_in_dim3A_11 : vector<640xi1>, vector<640xf32>
    %get3A_13 = arith.constant 0 : index
    %get3A_14 = arith.constant 0 : index
    %get3A_15 = vector.load %arg1[%get3A_13, %get3A_14] : memref<640x128xf32, #tpu.memory_space<vmem>>, vector<640x128xf32>
    %broadcast_in_dim3A_16 = vector.shape_cast %select_n3A_12 : vector<640xf32> to vector<640x1xf32>
    %mul3A = vector.broadcast %broadcast_in_dim3A_16 : vector<640x1xf32> to vector<640x128xf32>
    %mul3A_17 = arith.mulf %get3A_15, %mul3A : vector<640x128xf32>
    %slice3A_18 = vector.extract_strided_slice %mul3A_17 {offsets = [0, 0], sizes = [640, 64], strides = [1, 1]} : vector<640x128xf32> to vector<640x64xf32>
    %swap3A = arith.constant 0 : index
    %swap3A_19 = arith.constant 0 : index
    %swap3A_20 = arith.constant 0 : index
    %swap3A_21 = vector.load %arg3[%swap3A, %swap3A_19, %swap3A_20] : memref<2x640x64xf32, #tpu.memory_space<vmem>>, vector<1x640x64xf32>
    %swap3A_22 = vector.shape_cast %swap3A_21 : vector<1x640x64xf32> to vector<640x64xf32>
    %swap3A_23 = vector.shape_cast %slice3A_18 : vector<640x64xf32> to vector<1x640x64xf32>
    tpu.vector_store %arg3[%swap3A, %swap3A_19, %swap3A_20], %swap3A_23 {strides = array<i32>} : memref<2x640x64xf32, #tpu.memory_space<vmem>>, vector<1x640x64xf32>,
    %slice3A_24 = vector.extract_strided_slice %mul3A_17 {offsets = [0, 64], sizes = [640, 64], strides = [1, 1]} : vector<640x128xf32> to vector<640x64xf32>
    %swap3A_25 = arith.constant 1 : index
    %swap3A_26 = arith.constant 0 : index
    %swap3A_27 = arith.constant 0 : index
    %swap3A_28 = vector.load %arg3[%swap3A_25, %swap3A_26, %swap3A_27] : memref<2x640x64xf32, #tpu.memory_space<vmem>>, vector<1x640x64xf32>
    %swap3A_29 = vector.shape_cast %swap3A_28 : vector<1x640x64xf32> to vector<640x64xf32>
    %swap3A_30 = vector.shape_cast %slice3A_24 : vector<640x64xf32> to vector<1x640x64xf32>
    tpu.vector_store %arg3[%swap3A_25, %swap3A_26, %swap3A_27], %swap3A_30 {strides = array<i32>} : memref<2x640x64xf32, #tpu.memory_space<vmem>>, vector<1x640x64xf32>,
    return
  }
  func.func @transform_0(%arg0: i32) -> (i32, i32) {
    %c0_i32 = arith.constant 0 : i32
    %c0_i32_0 = arith.constant 0 : i32
    return %arg0, %c0_i32 : i32, i32
  }
  func.func @transform_1(%arg0: i32) -> (i32, i32, i32) {
    %c0_i32 = arith.constant 0 : i32
    %c0_i32_0 = arith.constant 0 : i32
    %c0_i32_1 = arith.constant 0 : i32
    return %c0_i32, %arg0, %c0_i32_0 : i32, i32, i32
  }
  func.func @transform_2(%arg0: i32) -> (i32, i32, i32) {
    %c0_i32 = arith.constant 0 : i32
    %c0_i32_0 = arith.constant 0 : i32
    %c0_i32_1 = arith.constant 0 : i32
    return %c0_i32, %arg0, %c0_i32_0 : i32, i32, i32
  }
}

module attributes {stable_mosaic.version = 14 : i64} {
  func.func @_mm2_body(%arg0: i32, %arg1: memref<1000x128xf32, #tpu.memory_space<vmem>>, %arg2: memref<2x1000x64xf32, #tpu.memory_space<vmem>>, %arg3: memref<2x1000x16xf32, #tpu.memory_space<vmem>>, %arg4: memref<128x128xf32, #tpu.memory_space<vmem>>, %arg5: memref<128x128xf32, #tpu.memory_space<vmem>>, %arg6: memref<1x128xf32, #tpu.memory_space<vmem>>, %arg7: memref<128x40xf32, #tpu.memory_space<vmem>>, %arg8: memref<1x40xf32, #tpu.memory_space<vmem>>, %arg9: memref<1000x40xf32, #tpu.memory_space<vmem>>) attributes {dimension_semantics = [#tpu.dimension_semantics<arbitrary>], iteration_bounds = array<i64: 10>, scalar_prefetch = 0 : i64, scratch_operands = 0 : i64, tpu.core_type = #tpu.core_type<tc>, window_params = [{transform_indices = @transform_0, window_bounds = array<i64: 1000, 128>}, {transform_indices = @transform_1, window_bounds = array<i64: 2, 1000, 64>}, {transform_indices = @transform_2, window_bounds = array<i64: 2, 1000, 16>}, {pipeline_mode = #tpu.pipeline_mode<synchronous>, transform_indices = @transform_3, window_bounds = array<i64: 128, 128>}, {pipeline_mode = #tpu.pipeline_mode<synchronous>, transform_indices = @transform_4, window_bounds = array<i64: 128, 128>}, {pipeline_mode = #tpu.pipeline_mode<synchronous>, transform_indices = @transform_5, window_bounds = array<i64: 1, 128>}, {pipeline_mode = #tpu.pipeline_mode<synchronous>, transform_indices = @transform_6, window_bounds = array<i64: 128, 40>}, {pipeline_mode = #tpu.pipeline_mode<synchronous>, transform_indices = @transform_7, window_bounds = array<i64: 1, 40>}, {transform_indices = @transform_8, window_bounds = array<i64: 1000, 40>}]} {
    %get3A = arith.constant 0 : index
    %get3A_0 = arith.constant 0 : index
    %get3A_1 = arith.constant 0 : index
    %get3A_2 = vector.load %arg3[%get3A, %get3A_0, %get3A_1] : memref<2x1000x16xf32, #tpu.memory_space<vmem>>, vector<2x1000x16xf32>
    %slice3A = vector.extract_strided_slice %get3A_2 {offsets = [0, 0, 0], sizes = [1, 1000, 1], strides = [1, 1, 1]} : vector<2x1000x16xf32> to vector<1x1000x1xf32>
    %squeeze3A = vector.shape_cast %slice3A : vector<1x1000x1xf32> to vector<1000xf32>
    %slice3A_3 = vector.extract_strided_slice %get3A_2 {offsets = [1, 0, 0], sizes = [1, 1000, 1], strides = [1, 1, 1]} : vector<2x1000x16xf32> to vector<1x1000x1xf32>
    %squeeze3A_4 = vector.shape_cast %slice3A_3 : vector<1x1000x1xf32> to vector<1000xf32>
    %add3A = arith.addf %squeeze3A, %squeeze3A_4 : vector<1000xf32>
    %gt3A = arith.constant 0.000000e+00 : f32
    %gt3A_5 = vector.broadcast %gt3A : f32 to vector<1000xf32>
    %gt3A_6 = arith.cmpf ogt, %add3A, %gt3A_5 : vector<1000xf32>
    %jit3A = arith.constant 1.000000e+00 : f32
    %broadcast_in_dim3A = vector.broadcast %jit3A : f32 to vector<1000xf32>
    %select_n3A = arith.select %gt3A_6, %add3A, %broadcast_in_dim3A : vector<1000xi1>, vector<1000xf32>
    %gt3A_7 = arith.constant 0.000000e+00 : f32
    %gt3A_8 = vector.broadcast %gt3A_7 : f32 to vector<1000xf32>
    %gt3A_9 = arith.cmpf ogt, %add3A, %gt3A_8 : vector<1000xf32>
    %rsqrt3A = math.rsqrt %select_n3A : vector<1000xf32>
    %jit3A_10 = arith.constant 0.000000e+00 : f32
    %broadcast_in_dim3A_11 = vector.broadcast %jit3A_10 : f32 to vector<1000xf32>
    %select_n3A_12 = arith.select %gt3A_9, %rsqrt3A, %broadcast_in_dim3A_11 : vector<1000xi1>, vector<1000xf32>
    %get3A_13 = arith.constant 0 : index
    %get3A_14 = arith.constant 0 : index
    %get3A_15 = arith.constant 0 : index
    %get3A_16 = vector.load %arg2[%get3A_13, %get3A_14, %get3A_15] : memref<2x1000x64xf32, #tpu.memory_space<vmem>>, vector<1x1000x64xf32>
    %get3A_17 = vector.shape_cast %get3A_16 : vector<1x1000x64xf32> to vector<1000x64xf32>
    %get3A_18 = arith.constant 1 : index
    %get3A_19 = arith.constant 0 : index
    %get3A_20 = arith.constant 0 : index
    %get3A_21 = vector.load %arg2[%get3A_18, %get3A_19, %get3A_20] : memref<2x1000x64xf32, #tpu.memory_space<vmem>>, vector<1x1000x64xf32>
    %get3A_22 = vector.shape_cast %get3A_21 : vector<1x1000x64xf32> to vector<1000x64xf32>
    %concatenate3A = tpu.concatenate %get3A_17, %get3A_22 in 1 : vector<1000x64xf32>, vector<1000x64xf32> -> vector<1000x128xf32>
    %neg3A = arith.constant 0.000000e+00 : f32
    %neg3A_23 = vector.broadcast %neg3A : f32 to vector<1000xf32>
    %neg3A_24 = arith.subf %neg3A_23, %select_n3A_12 : vector<1000xf32>
    %broadcast_in_dim3A_25 = vector.shape_cast %neg3A_24 : vector<1000xf32> to vector<1000x1xf32>
    %mul3A = vector.broadcast %broadcast_in_dim3A_25 : vector<1000x1xf32> to vector<1000x128xf32>
    %mul3A_26 = arith.mulf %concatenate3A, %mul3A : vector<1000x128xf32>
    %get3A_27 = arith.constant 0 : index
    %get3A_28 = arith.constant 0 : index
    %get3A_29 = vector.load %arg1[%get3A_27, %get3A_28] : memref<1000x128xf32, #tpu.memory_space<vmem>>, vector<1000x128xf32>
    %get3A_30 = arith.constant 0 : index
    %get3A_31 = arith.constant 0 : index
    %get3A_32 = vector.load %arg4[%get3A_30, %get3A_31] : memref<128x128xf32, #tpu.memory_space<vmem>>, vector<128x128xf32>
    %dot_general3A = arith.constant dense<0.000000e+00> : vector<1000x128xf32>
    %dot_general3A_33 = tpu.matmul %get3A_29, %get3A_32, %dot_general3A {dimension_numbers = #tpu.dot_dimension_numbers<[1], [0], [0], [1], [0, 0, 1, 1], [], []>, transpose_lhs_hint = false} : vector<1000x128xf32>, vector<128x128xf32>, vector<1000x128xf32> -> vector<1000x128xf32>
    %get3A_34 = arith.constant 0 : index
    %get3A_35 = arith.constant 0 : index
    %get3A_36 = vector.load %arg5[%get3A_34, %get3A_35] : memref<128x128xf32, #tpu.memory_space<vmem>>, vector<128x128xf32>
    %dot_general3A_37 = arith.constant dense<0.000000e+00> : vector<1000x128xf32>
    %dot_general3A_38 = tpu.matmul %mul3A_26, %get3A_36, %dot_general3A_37 {dimension_numbers = #tpu.dot_dimension_numbers<[1], [0], [0], [1], [0, 0, 1, 1], [], []>, transpose_lhs_hint = false} : vector<1000x128xf32>, vector<128x128xf32>, vector<1000x128xf32> -> vector<1000x128xf32>
    %add3A_39 = arith.addf %dot_general3A_33, %dot_general3A_38 : vector<1000x128xf32>
    %get3A_40 = arith.constant 0 : index
    %get3A_41 = arith.constant 0 : index
    %get3A_42 = vector.load %arg6[%get3A_40, %get3A_41] : memref<1x128xf32, #tpu.memory_space<vmem>>, vector<1x128xf32>
    %add3A_43 = vector.broadcast %get3A_42 : vector<1x128xf32> to vector<1000x128xf32>
    %add3A_44 = arith.addf %add3A_39, %add3A_43 : vector<1000x128xf32>
    %max3A = arith.constant 0.000000e+00 : f32
    %max3A_45 = vector.broadcast %max3A : f32 to vector<1000x128xf32>
    %max3A_46 = arith.maximumf %add3A_44, %max3A_45 : vector<1000x128xf32>
    %add3A_47 = arith.addf %max3A_46, %get3A_29 : vector<1000x128xf32>
    %get3A_48 = arith.constant 0 : index
    %get3A_49 = arith.constant 0 : index
    %get3A_50 = vector.load %arg7[%get3A_48, %get3A_49] : memref<128x40xf32, #tpu.memory_space<vmem>>, vector<128x40xf32>
    %dot_general3A_51 = arith.constant dense<0.000000e+00> : vector<1000x40xf32>
    %dot_general3A_52 = tpu.matmul %add3A_47, %get3A_50, %dot_general3A_51 {dimension_numbers = #tpu.dot_dimension_numbers<[1], [0], [0], [1], [0, 0, 1, 1], [], []>, transpose_lhs_hint = false} : vector<1000x128xf32>, vector<128x40xf32>, vector<1000x40xf32> -> vector<1000x40xf32>
    %get3A_53 = arith.constant 0 : index
    %get3A_54 = arith.constant 0 : index
    %get3A_55 = vector.load %arg8[%get3A_53, %get3A_54] : memref<1x40xf32, #tpu.memory_space<vmem>>, vector<1x40xf32>
    %add3A_56 = vector.broadcast %get3A_55 : vector<1x40xf32> to vector<1000x40xf32>
    %add3A_57 = arith.addf %dot_general3A_52, %add3A_56 : vector<1000x40xf32>
    %reduce_max3A = arith.constant dense<0xFF800000> : vector<1000xf32>
    %reduce_max3A_58 = vector.multi_reduction <maximumf>, %add3A_57, %reduce_max3A [1] : vector<1000x40xf32> to vector<1000xf32>
    %broadcast_in_dim3A_59 = vector.shape_cast %reduce_max3A_58 : vector<1000xf32> to vector<1000x1xf32>
    %sub3A = vector.broadcast %broadcast_in_dim3A_59 : vector<1000x1xf32> to vector<1000x40xf32>
    %sub3A_60 = arith.subf %add3A_57, %sub3A : vector<1000x40xf32>
    %exp3A = math.exp %sub3A_60 : vector<1000x40xf32>
    %reduce_sum3A = arith.constant dense<0.000000e+00> : vector<1000xf32>
    %reduce_sum3A_61 = vector.multi_reduction <add>, %exp3A, %reduce_sum3A [1] : vector<1000x40xf32> to vector<1000xf32>
    %broadcast_in_dim3A_62 = vector.shape_cast %reduce_sum3A_61 : vector<1000xf32> to vector<1000x1xf32>
    %log3A = math.log %broadcast_in_dim3A_62 : vector<1000x1xf32>
    %sub3A_63 = vector.broadcast %log3A : vector<1000x1xf32> to vector<1000x40xf32>
    %sub3A_64 = arith.subf %sub3A_60, %sub3A_63 : vector<1000x40xf32>
    %swap3A = arith.constant 0 : index
    %swap3A_65 = arith.constant 0 : index
    %swap3A_66 = vector.load %arg9[%swap3A, %swap3A_65] : memref<1000x40xf32, #tpu.memory_space<vmem>>, vector<1000x40xf32>
    tpu.vector_store %arg9[%swap3A, %swap3A_65], %sub3A_64 {strides = array<i32>} : memref<1000x40xf32, #tpu.memory_space<vmem>>, vector<1000x40xf32>,
    return
  }
  func.func @transform_0(%arg0: i32) -> (i32, i32) {
    %c0_i32 = arith.constant 0 : i32
    %c0_i32_0 = arith.constant 0 : i32
    return %arg0, %c0_i32 : i32, i32
  }
  func.func @transform_1(%arg0: i32) -> (i32, i32, i32) {
    %c0_i32 = arith.constant 0 : i32
    %c0_i32_0 = arith.constant 0 : i32
    %c0_i32_1 = arith.constant 0 : i32
    return %c0_i32, %arg0, %c0_i32_0 : i32, i32, i32
  }
  func.func @transform_2(%arg0: i32) -> (i32, i32, i32) {
    %c0_i32 = arith.constant 0 : i32
    %c0_i32_0 = arith.constant 0 : i32
    %c0_i32_1 = arith.constant 0 : i32
    return %c0_i32, %arg0, %c0_i32_0 : i32, i32, i32
  }
  func.func @transform_3(%arg0: i32) -> (i32, i32) {
    %c0_i32 = arith.constant 0 : i32
    %c0_i32_0 = arith.constant 0 : i32
    %c0_i32_1 = arith.constant 0 : i32
    return %c0_i32, %c0_i32_0 : i32, i32
  }
  func.func @transform_4(%arg0: i32) -> (i32, i32) {
    %c0_i32 = arith.constant 0 : i32
    %c0_i32_0 = arith.constant 0 : i32
    %c0_i32_1 = arith.constant 0 : i32
    return %c0_i32, %c0_i32_0 : i32, i32
  }
  func.func @transform_5(%arg0: i32) -> (i32, i32) {
    %c0_i32 = arith.constant 0 : i32
    %c0_i32_0 = arith.constant 0 : i32
    %c0_i32_1 = arith.constant 0 : i32
    return %c0_i32, %c0_i32_0 : i32, i32
  }
  func.func @transform_6(%arg0: i32) -> (i32, i32) {
    %c0_i32 = arith.constant 0 : i32
    %c0_i32_0 = arith.constant 0 : i32
    %c0_i32_1 = arith.constant 0 : i32
    return %c0_i32, %c0_i32_0 : i32, i32
  }
  func.func @transform_7(%arg0: i32) -> (i32, i32) {
    %c0_i32 = arith.constant 0 : i32
    %c0_i32_0 = arith.constant 0 : i32
    %c0_i32_1 = arith.constant 0 : i32
    return %c0_i32, %c0_i32_0 : i32, i32
  }
  func.func @transform_8(%arg0: i32) -> (i32, i32) {
    %c0_i32 = arith.constant 0 : i32
    %c0_i32_0 = arith.constant 0 : i32
    return %arg0, %c0_i32 : i32, i32
  }
}

</mosaic_0001>

<sc_bundles>
// kernel: kernel.10.cloned.1.call-start
scs
__scs_entry_jumppad:
0x0: {  	(pc) =	sbr.rel $0x88, $3  }
0x1: {  	(tag) =	ssettag $0x0;
	lr =	simm.s32 $0x1  }
0x2: {  	[smem:$0x3F99] =	sst lr;
	_ =	strace $0xD0000000  }
0x3: {  	_ = 	snop  }
0x4: {  	_ = 	snop  }
0x5: {  	_ = 	snop  }
0x6: {  	_ = 	snop  }
0x7: {  	_ = 	snop  }
__scs_overlays_trampoline_lowered:
0x8: {  	[smem:$0x3FA8] =	sst s0  }
0x9: {  	[smem:$0x3FA9] =	sst s1  }
0xa: {  	[smem:$0x3FAA] =	sst s2  }
0xb: {  	[smem:$0x3FAB] =	sst s3  }
0xc: {  	[smem:$0x3FAC] =	sst s4  }
0xd: {  	[smem:$0x3FAD] =	sst s5  }
0xe: {  	[smem:$0x3FAE] =	sst s6  }
0xf: {  	[smem:$0x3FAF] =	sst s7  }
0x10: {  	[smem:$0x3FB0] =	sst s8  }
0x11: {  	[smem:$0x3FB1] =	sst s9;
	s0 =	simm.s32 @!p0 $0x0  }
0x12: {  	s1 =	sld [smem:$0x3F97];
	s0 =	simm.s32 @p0 $0x1  }
0x13: {  	[smem:$0x3FB2] =	sst s0;
	s0 =	simm.s32 @!p1 $0x0  }
0x14: {  	s2 =	sld [smem:$0x3F96];
	s0 =	simm.s32 @p1 $0x1  }
0x15: {  	[smem:$0x3FB3] =	sst s0;
	s0 =	simm.s32 @!p2 $0x0  }
0x16: {  	s3 =	sld [smem:$0x3FDB];
	s0 =	simm.s32 @p2 $0x1  }
0x17: {  	s4 =	simm.s32 $0x1BF5;
	[smem:$0x3FB5] =	sst s0  }
0x18: {  	s0 =	sld [smem:$0x3F98];
	_ =	swait.ge [sflag:s4], $0x0  }
0x19: {  	s7 =	sld [smem:$0x3F99]  }
0x1a: {  	s8 =	sadd.s32 $0xFFFFE003, lr  }
0x1b: {  	s9 =	sadd.s32 $0xFFFFFEF7, lr;
	s5 =	simm.s32 $0xFFFFFFFF;
	p2 =	slt.u32 s8, $0xFFFFF086  }
0x1c: {  	p1 =	slt.u32 s9, $0xF7A;
	s5 =	simm.s32 @!p2 $0x0  }
0x1d: {  	s5 =	simm.s32 @p1 $0x1;
	p0 =	seq.s32 s7, s2  }
0x1e: {  	s7 =	smul.u32 @!p0 $0xF7A, s2;
	p2 =	seq.s32 @!p0 s5, $0x0  }
0x1f: {  	s9 =	smul.u32 $0xF7A, s1;
	s8 =	simm.s32 @!p0 $0x1BF5;
	p2 =	por !p2, p0  }
0x20: {  	[sflag:s8] =	ssyncset.s32 @!p0 $0xFFFFF086;
	s6 =	sadd.s32 @!p0 s3, s7;
	s7 =	simm.s32 @!p0 $0x108  }
0x21: {  	s3 =	sadd.s32 s3, s9;
	s6 =	sadd.s32 @!p0 $0x88, s6;
	s7 =	simm.s32 @p2 $0x1082  }
0x22: {  	[simem:s7], [sflag:s8] =	dma.local @!p0 [hbm:s6], $0xF7A  }
0x23: {  	s9 =	sor.u32 $0xD0000000, s2;
	s6 =	simm.s32 $0x108;
	_ =	swait.ge @!p0 [sflag:s8], $0x0  }
0x24: {  	s3 =	sadd.s32 $0x88, s3;
	s6 =	simm.s32 @!p1 $0x1082;
	[sflag:s4] =	ssyncset.s32 $0xFFFFF086  }
0x25: {  	[simem:s6], [sflag:s4] =	dma.local [hbm:s3], $0xF7A  }
0x26: {  	[smem:$0x3F99] =	sst s1;
	(tag) =	ssettag s2;
	_ =	strace s9  }
0x27: {  	s1 =	sld [smem:$0x3FA9]  }
0x28: {  	s2 =	sld [smem:$0x3FAA]  }
0x29: {  	s4 =	sld [smem:$0x3FAC]  }
0x2a: {  	p0 =	seq.s32 s5, $0x0;
	s5 =	sld [smem:$0x3FAD]  }
0x2b: {  	s6 =	sld [smem:$0x3FAE]  }
0x2c: {  	s7 =	sld [smem:$0x3FAF]  }
0x2d: {  	s3 =	simm.s32 $0x108;
	s8 =	sld [smem:$0x3FB0]  }
0x2e: {  	s3 =	simm.s32 @!p0 $0x1082;
	s9 =	sld [smem:$0x3FB1]  }
0x2f: {  	lr =	sadd.s32 s0, s3;
	s0 =	sld [smem:$0x3FA8]  }
0x30: {  	s3 =	sld [smem:$0x3FAB]  }
0x31: {  	[smem:$0x3FB4] =	sst s10  }
0x32: {  	s10 =	sld [smem:$0x3FB2];
	_ =	sdelay $0x3  }
0x33: {  	p0 =	seq.s32 s10, $0x1;
	s10 =	sld [smem:$0x3FB4];
	_ =	sdelay $0x3  }
0x34: {  	[smem:$0x3FB4] =	sst s10  }
0x35: {  	s10 =	sld [smem:$0x3FB3];
	_ =	sdelay $0x3  }
0x36: {  	p1 =	seq.s32 s10, $0x1;
	s10 =	sld [smem:$0x3FB4];
	_ =	sdelay $0x3  }
0x37: {  	[smem:$0x3FB4] =	sst s10  }
0x38: {  	s10 =	sld [smem:$0x3FB5]  }
0x39: {  	_ = 	snop;
	(pc) =	sbr.ind lr, $3  }
0x3a: {  	_ = 	snop  }
0x3b: {  	_ = 	snop  }
0x3c: {  	p2 =	seq.s32 s10, $0x1;
	s10 =	sld [smem:$0x3FB4]  }
0x3d: {  	_ =	shalt  }
0x3e: {  	_ =	shalt  }
0x3f: {  	_ =	shalt  }
0x40: {  	_ =	shalt  }
0x41: {  	_ =	shalt  }
0x42: {  	_ =	shalt  }
0x43: {  	_ =	shalt  }
0x44: {  	_ =	shalt  }
0x45: {  	_ =	shalt  }
0x46: {  	_ =	shalt  }
0x47: {  	_ =	shalt  }
0x48: {  	_ =	shalt  }
0x49: {  	_ =	shalt  }
0x4a: {  	_ =	shalt  }
0x4b: {  	_ =	shalt  }
0x4c: {  	_ =	shalt  }
0x4d: {  	_ =	shalt  }
0x4e: {  	_ =	shalt  }
0x4f: {  	_ =	shalt  }
0x50: {  	_ =	shalt  }
0x51: {  	_ =	shalt  }
0x52: {  	_ =	shalt  }
0x53: {  	_ =	shalt  }
0x54: {  	_ =	shalt  }
0x55: {  	_ =	shalt  }
0x56: {  	_ =	shalt  }
0x57: {  	_ =	shalt  }
0x58: {  	_ =	shalt  }
0x59: {  	_ =	shalt  }
0x5a: {  	_ =	shalt  }
0x5b: {  	_ =	shalt  }
0x5c: {  	_ =	shalt  }
0x5d: {  	_ =	shalt  }
0x5e: {  	_ =	shalt  }
0x5f: {  	_ =	shalt  }
0x60: {  	_ =	shalt  }
0x61: {  	_ =	shalt  }
0x62: {  	_ =	shalt  }
0x63: {  	_ =	shalt  }
0x64: {  	_ =	shalt  }
0x65: {  	_ =	shalt  }
0x66: {  	_ =	shalt  }
0x67: {  	_ =	shalt  }
0x68: {  	_ =	shalt  }
0x69: {  	_ =	shalt  }
0x6a: {  	_ =	shalt  }
0x6b: {  	_ =	shalt  }
0x6c: {  	_ =	shalt  }
0x6d: {  	_ =	shalt  }
0x6e: {  	_ =	shalt  }
0x6f: {  	_ =	shalt  }
0x70: {  	_ =	shalt  }
0x71: {  	_ =	shalt  }
0x72: {  	_ =	shalt  }
0x73: {  	_ =	shalt  }
0x74: {  	_ =	shalt  }
0x75: {  	_ =	shalt  }
0x76: {  	_ =	shalt  }
0x77: {  	_ =	shalt  }
0x78: {  	_ =	shalt  }
0x79: {  	_ =	shalt  }
0x7a: {  	_ =	shalt  }
0x7b: {  	_ =	shalt  }
0x7c: {  	_ =	shalt  }
0x7d: {  	_ =	shalt  }
0x7e: {  	_ =	shalt  }
0x7f: {  	_ =	shalt  }
0x80: {  	_ =	shalt  }
0x81: {  	_ =	shalt  }
0x82: {  	_ =	shalt  }
0x83: {  	_ =	shalt  }
0x84: {  	_ =	shalt  }
0x85: {  	_ =	shalt  }
0x86: {  	_ =	shalt  }
0x87: {  	_ =	shalt  }
.Lfunc_end0:
.L_simem_size_0:
called_computation.1_lowered:
.L_overlay_start_0:
0x88: {  	s2 =	sld [smem:$0x3FD9]  }
0x89: {  	s3 =	sld [smem:$0x3FFE];
	_ =	sdelay $0x1  }
0x8a: {  	s1 =	srdreg.scid  }
0x8b: {  	s0 =	sand.u32 $0x1, s1  }
0x8c: {  	s16 =	sshll.u32 s0, $0xA;
	s2 =	sadd.s32 s3, s2  }
0x8d: {  	s2 =	sadd.s32 s2, s16  }
0x8e: {  	[smem:$0x3FC0] =	sst s2  }
0x8f: {  	_ = 	snop  }
0x90: {  	(tm) =	ssettm $0x1  }
0x91: {  	s17 =	sld [smem:$0x3FFB];
	_ =	sdelay $0x3  }
0x92: {  	_ =	strace s17  }
0x93: {  	s2 =	sld [smem:$0x3FFC];
	_ =	sdelay $0x3  }
0x94: {  	_ =	strace s2  }
0x95: {  	s2 =	sld [smem:$0x3FFD];
	_ =	sdelay $0x3  }
0x96: {  	_ =	strace s2  }
0x97: {  	_ =	strace $0x8FFFFFFF  }
0x98: {  	s18 =	sld [smem:$0x3FDB];
	_ =	sdelay $0x1  }
0x99: {  	s19 =	simm.s32 $_scs_section_size  }
0x9a: {  	s4 =	simm.s32 $_size__tile_overlayer_lowered;
	s5 =	simm.s32 $_tile_overlayer_lowered  }
0x9b: {  	s22 =	simm.s32 $0x1BFF;
	s21 =	sshll.u32 s5, $0x1;
	s2 =	sadd.s32 s19, s18  }
0x9c: {  	s6 =	simm.s32 $0x0;
	s20 =	sshll.u32 s4, $0x1;
	s4 =	sadd.s32 s21, s2  }
0x9d: {  	[timem:s6], [sflag:s22] =	dma.local [hbm:s4], s20  }
0x9e: {  	_ =	swait.ge [sflag:s22], s20  }
0x9f: {  	s3 =	ssub.s32 $0x0, s20;
	[sflag:s22] =	ssyncset.done $0x0  }
0xa0: {  	[sflag:s22] =	ssyncadd.s32 s3;
	_ =	sdelay $0x1  }
0xa1: {  	s23 =	simm.s32 $0x1B8B  }
0xa2: {  	_ =	swait.ge [sflag:s23], $0x1  }
0xa3: {  	[sflag:s23] =	ssyncset.done $0x0  }
0xa4: {  	s25 =	simm.s32 $0x1B8E;
	s24 =	sld [smem:$0x3FFE];
	[sflag:s23] =	ssyncadd.s32 $0xFFFFFFFF  }
0xa5: {  	s26 =	simm.s32 $execute0_lowered;
	[smem:$0x3FD2] =	sst s25  }
0xa6: {  	s4 =	sshll.u32 s26, $0x1;
	_ =	strace $0x80000049;
	[dreg:$0x1] =	wrdreg $0xFFFFFFFF  }
0xa7: {  	s28 =	simm.s32 $_size_execute0_lowered;
	s2 =	sadd.s32 s2, s4;
	[dreg:$0x0] =	wrdreg $0x0  }
0xa8: {  	s4 =	sshll.u32 s28, $0x1;
	[dreg:$0x2] =	wrdreg s2  }
0xa9: {  	[dreg:$0x3] =	wrdreg s4  }
0xaa: {  	[dreg:$0x4] =	wrdreg $0xC0  }
0xab: {  	_ =	task [dreg:s6], $0x5FFFF  }
0xac: {  	[dreg:$0x1] =	wrdreg $0xFFFFFFFF  }
0xad: {  	[dreg:$0x0] =	wrdreg $0x60  }
0xae: {  	[dreg:$0x2] =	wrdreg s24  }
0xaf: {  	[dreg:$0x3] =	wrdreg $0xA0000  }
0xb0: {  	[dreg:$0x4] =	wrdreg $0x0  }
0xb1: {  	[dreg:$0x5] =	wrdreg $0x9  }
0xb2: {  	_ =	task.clear_ibuf [dreg:s6], $0x6FFFF;
	_ =	strace $0x90000049  }
0xb3: {  	s29 =	simm.s32 $0x9;
	_ =	strace $0x8000004B  }
0xb4: {  	_ =	swait.ge [sflag:s29], $0x1  }
0xb5: {  	[sflag:s29] =	ssyncadd.s32 $0xFFFFFFFF  }
0xb6: {  	_ =	strace $0x9000004B  }
0xb7: {  	_ =	sfence  }
0xb8: {  	s30 =	sld [smem:$0x0];
	_ =	sdelay $0x2  }
0xb9: {  	s31 =	sshll.u32 s1, $0xD;
	s1 =	sshrl.u32 s1, $0x2  }
0xba: {  	s3 =	sand.u32 $0x4000, s31;
	s1 =	sadd.s32 s1, s30  }
0xbb: {  	s0 =	sor.u32 s3, s0;
	s1 =	sshll.u32 s1, $0x11  }
0xbc: {  	s0 =	sor.u32 s1, s0  }
0xbd: {  	s0 =	sadd.s32 $0x8F2B, s0  }
0xbe: {  	[sflag:s0] =	ssyncadd.remote.s32 $0x1  }
0xbf: {  	_ =	sfence.sel $0xFFFF  }
0xc0: {  	[dreg:$0x0] =	wrdreg $0xFFFFFFFF;
	(pc) =	sbr.abs _section_cstart, $3  }
0xc1: {  	[dreg:$0x1] =	wrdreg $0xFFFFFFFF  }
0xc2: {  	_ =	task.clear_ibuf [dreg:s6], $0x2FFFF;
	_ =	strace $0x9FFFFFFF  }
0xc3: {  	(tm) =	ssettm $0x7FFFFFFF  }
tec
execute0_lowered:
.L_overlay_start_1:
0x0: {  	(tag) =	ssettag $0x1  }
0x1: {  	s0 =	rddreg [dreg:$0x0]  }
0x2: {  	s2 =	rddreg [dreg:$0x1]  }
0x3: {  	s9 =	stileid.u32;
	s1 =	srdreg.scid  }
0x4: {  	s3 =	rddreg [dreg:$0x2];
	s14 =	simm.s32 $0x0;
	s13 =	simm.s32 $0x9  }
0x5: {  	s15 =	simm.s32 $0x14000;
	s16 =	simm.s32 $0x15400;
	s17 =	simm.s32 $0x80  }
0x6: {  	s18 =	simm.s32 $0x16800;
	s20 =	simm.s32 $0x18800;
	s22 =	simm.s32 $0x1A800  }
0x7: {  	s28 =	simm.s32 $0x15480;
	s29 =	simm.s32 $0x3;
	s30 =	simm.s32 $0x15500  }
0x8: {  	s31 =	simm.s32 $0x5;
	s11 =	simm.s32 $0x7;
	s12 =	simm.s32 $0x8  }
0x9: {  	s4 =	smul.u32 $0xA000, s9;
	s1 =	sand.u32 $0x1, s1;
	[smem:$0x7FF] =	sst s14  }
0xa: {  	s5 =	sadd.s32 $0x1E00, s0;
	s8 =	sshll.u32 s9, $0x6;
	s9 =	smul.u32 $0x5000, s9  }
0xb: {  	s6 =	smul.u32 $0xA0000, s1;
	_ =	strace $0x8000004A;
	s1 =	ssub.s32 $0x2, s1  }
0xc: {  	s19 =	sor.u32 $0x1C09, s8;
	s8 =	simm.s32 $0x6;
	s7 =	sshrl.u32 s4, $0x3  }
0xd: {  	s23 =	sshrl.u32 s1, $0x1;
	s24 =	sadd.s32 s4, s2;
	[dreg:$0x6] =	wrdreg s19  }
0xe: {  	s6 =	sadd.s32 s4, s6;
	s7 =	sadd.s32 s7, s0;
	s1 =	ssub.s32 s1, s23  }
0xf: {  	s4 =	sadd.s32 s4, s3;
	s26 =	sshrl.u32 s24, $0x3;
	s23 =	simm.s32 $0x14180  }
0x10: {  	s24 =	simm.s32 $0x1C800;
	s6 =	sshrl.u32 s6, $0x3;
	s7 =	sadd.s32 $0x8DE00, s7  }
0x11: {  	s25 =	smax.u32 s1, $0x1;
	[dreg:$0xa] =	wrdreg s26;
	s26 =	simm.s32 $0x2  }
.Ltmp0:
0x12: {  	s1 =	simm.s32 $0x14200;
	[dreg:$0x7] =	wrdreg s7;
	(pc) =	sbr.rel .LBB2_1-.Ltmp0, $4  }
0x13: {  	s0 =	sadd.s32 s6, s0;
	[dreg:$0x9] =	wrdreg s25;
	s7 =	sshrl.u32 s4, $0x3  }
0x14: {  	s25 =	simm.s32 $0x1;
	s10 =	sadd.s32 $0x65E00, s0;
	[dreg:$0xb] =	wrdreg s7  }
0x15: {  	s6 =	simm.s32 $0x15580;
	s0 =	sadd.s32 $0xA1E00, s0;
	[dreg:$0x5] =	wrdreg s10  }
0x16: {  	[dreg:$0x8] =	wrdreg s0;
	s0 =	simm.s32 $0x4;
	s10 =	simm.s32 $0x14280  }
.LBB2_6:
0x17: {  	[bflag:$0x0] =	sbarrier.arrive $0xFFFF  }
0x18: {  	s19 =	rddreg [dreg:$0x6]  }
0x19: {  	s4 =	rddreg [dreg:$0x8]  }
0x1a: {  	s7 =	rddreg [dreg:$0xb]  }
0x1b: {  	[hbm:s4], [sflag:s19] =	dma.local [spmem:s7], $0x1400  }
0x1c: {  	_ =	swait.ge [sflag:s13], $0x1400  }
0x1d: {  	s14 =	rddreg [dreg:$0x4]  }
0x1e: {  	s21 =	rddreg [dreg:$0x9];
	s14 =	sadd.s32 $0x1, s14  }
0x1f: {  	p0 =	sne.s32 s14, s21  }
.Ltmp1:
0x20: {  	_ = 	snop;
	(pc) =	sbr.rel @!p0 .LBB2_7-.Ltmp1, $3  }
0x21: {  	_ =	sdelay $0x1  }
0x22: {  	[sflag:s13] =	ssyncset.done $0x0  }
0x23: {  	[sflag:s13] =	ssyncadd.s32 $0xFFFFEC00  }
.LBB2_1:
0x24: {  	[dreg:$0x4] =	wrdreg s14  }
0x25: {  	s4 =	rddreg [dreg:$0x5]  }
0x26: {  	s21 =	rddreg [dreg:$0xa]  }
0x27: {  	[spmem:s21], [sflag:s19] =	dma.local [hbm:s4], $0x1400  }
0x28: {  	_ =	swait.ge [sflag:s13], $0x1400  }
0x29: {  	[sflag:s13] =	ssyncset.done $0x0  }
0x2a: {  	s14 =	smov.u32 s7;
	s21 =	rddreg [dreg:$0x7];
	[sflag:s13] =	ssyncadd.s32 $0xFFFFEC00  }
0x2b: {  	[spmem:s14], [sflag:s19] =	dma.local [hbm:s21], $0x1400  }
.Ltmp2:
0x2c: {  	_ =	swait.ge [sflag:s13], $0x1400;
	(pc) =	sbr.rel .LBB2_2-.Ltmp2, $4  }
0x2d: {  	[sflag:s13] =	ssyncset.done $0x0  }
0x2e: {  	[sflag:s13] =	ssyncadd.s32 $0xFFFFEC00  }
0x2f: {  	[bflag:$0x0] =	sbarrier.arrive $0xFFFF  }
0x30: {  	s14 =	simm.s32 $0x0  }
.LBB2_5:
0x31: {  	_ =	swait.ge [sflag:s0], $0x2000  }
0x32: {  	[sflag:s0] =	ssyncset.done $0x0  }
0x33: {  	[sflag:s0] =	ssyncadd.s32 $0xFFFFE000  }
0x34: {  	[spmem:s3] =	stream.indirect.scatter.add.f32 [tilespmem:s24], [sflag:$0x8], $0x40, s19, s17, $0xb8;
	[tilespmem:$0x1E800] =	vst v63  }
0x35: {  	_ =	swait.ge [sflag:s8], $0x2000  }
0x36: {  	[sflag:s8] =	ssyncset.done $0x0  }
0x37: {  	s14 =	sadd.s32 $0x1, s14;
	[sflag:s8] =	ssyncadd.s32 $0xFFFFE000  }
0x38: {  	p0 =	sne.s32 s14, $0x4;
	_ =	swait.ge [sflag:s11], $0x2000  }
.Ltmp3:
0x39: {  	[sflag:s11] =	ssyncset.done $0x0;
	(pc) =	sbr.rel @!p0 .LBB2_6-.Ltmp3, $4  }
0x3a: {  	[sflag:s11] =	ssyncadd.s32 $0xFFFFE000  }
0x3b: {  	_ =	swait.ge [sflag:s12], $0x2000  }
0x3c: {  	[sflag:s12] =	ssyncset.done $0x0  }
0x3d: {  	[sflag:s12] =	ssyncadd.s32 $0xFFFFE000  }
.LBB2_2:
0x3e: {  	s4 =	smul.u32 $0x1400, s14;
	_ =	sdelay $0x1  }
0x3f: {  	s4 =	sadd.s32 s9, s4  }
0x40: {  	s4 =	sshrl.u32 s4, $0x3  }
0x41: {  	s7 =	simm.s32 $0x0;
	s4 =	sadd.s32 s5, s4  }
0x42: {  	[tilespmem:s15], [sflag:$0x9] =	stream.linear.gather [hbm4b:s4+s7], $0x1400, $0x38;
	[tilespmem:$0x1E800] =	vst v63  }
0x43: {  	_ =	swait.ge [sflag:s13], $0x1400  }
0x44: {  	[sflag:s13] =	ssyncset.done $0x0  }
0x45: {  	s4 =	sadd.s32 $0xA000, s4;
	[sflag:s13] =	ssyncadd.s32 $0xFFFFEC00  }
0x46: {  	[tilespmem:s16], [sflag:$0x9] =	stream.linear.gather [hbm4b:s4+s7], $0x1400, $0x38;
	[tilespmem:$0x1E800] =	vst v63  }
0x47: {  	_ =	swait.ge [sflag:s13], $0x1400  }
0x48: {  	[sflag:s13] =	ssyncset.done $0x0  }
0x49: {  	[sflag:s13] =	ssyncadd.s32 $0xFFFFEC00  }
0x4a: {  	[tilespmem:s18], [sflag:$0x1] =	stream.indirect.gather [spmem:s2], $0x40, s15, s17, $0xb8;
	[tilespmem:$0x1E800] =	vst v63  }
0x4b: {  	s19 =	simm.s32 $0x14080  }
0x4c: {  	[tilespmem:s20], [sflag:$0x2] =	stream.indirect.gather [spmem:s2], $0x40, s19, s17, $0xb8;
	[tilespmem:$0x1E800] =	vst v63  }
0x4d: {  	s21 =	simm.s32 $0x14100  }
0x4e: {  	[tilespmem:s22], [sflag:$0x3] =	stream.indirect.gather [spmem:s2], $0x40, s21, s17, $0xb8;
	[tilespmem:$0x1E800] =	vst v63  }
0x4f: {  	_ = 	snop  }
0x50: {  	[tilespmem:s24], [sflag:$0x4] =	stream.indirect.gather [spmem:s2], $0x40, s23, s17, $0xb8;
	[tilespmem:$0x1E800] =	vst v63  }
0x51: {  	_ =	swait.ge [sflag:s25], $0x2000  }
0x52: {  	[sflag:s25] =	ssyncset.done $0x0  }
0x53: {  	[sflag:s25] =	ssyncadd.s32 $0xFFFFE000  }
0x54: {  	[spmem:s3] =	stream.indirect.scatter.add.f32 [tilespmem:s18], [sflag:$0x5], $0x40, s16, s17, $0xb8;
	[tilespmem:$0x1E800] =	vst v63  }
0x55: {  	_ =	swait.ge [sflag:s26], $0x2000  }
0x56: {  	[sflag:s26] =	ssyncset.done $0x0  }
0x57: {  	[sflag:s26] =	ssyncadd.s32 $0xFFFFE000  }
0x58: {  	[spmem:s3] =	stream.indirect.scatter.add.f32 [tilespmem:s20], [sflag:$0x6], $0x40, s28, s17, $0xb8;
	[tilespmem:$0x1E800] =	vst v63  }
0x59: {  	_ =	swait.ge [sflag:s29], $0x2000  }
0x5a: {  	[sflag:s29] =	ssyncset.done $0x0  }
0x5b: {  	[sflag:s29] =	ssyncadd.s32 $0xFFFFE000  }
0x5c: {  	[spmem:s3] =	stream.indirect.scatter.add.f32 [tilespmem:s22], [sflag:$0x7], $0x40, s30, s17, $0xb8;
	[tilespmem:$0x1E800] =	vst v63  }
0x5d: {  	_ =	swait.ge [sflag:s31], $0x2000  }
0x5e: {  	[sflag:s31] =	ssyncset.done $0x0  }
0x5f: {  	[sflag:s31] =	ssyncadd.s32 $0xFFFFE000  }
0x60: {  	[tilespmem:s18], [sflag:$0x1] =	stream.indirect.gather [spmem:s2], $0x40, s1, s17, $0xb8;
	[tilespmem:$0x1E800] =	vst v63  }
0x61: {  	_ =	swait.ge [sflag:s0], $0x2000  }
0x62: {  	[sflag:s0] =	ssyncset.done $0x0  }
0x63: {  	[sflag:s0] =	ssyncadd.s32 $0xFFFFE000  }
0x64: {  	[spmem:s3] =	stream.indirect.scatter.add.f32 [tilespmem:s24], [sflag:$0x8], $0x40, s6, s17, $0xb8;
	[tilespmem:$0x1E800] =	vst v63  }
0x65: {  	_ =	swait.ge [sflag:s8], $0x2000  }
0x66: {  	[sflag:s8] =	ssyncset.done $0x0  }
0x67: {  	[sflag:s8] =	ssyncadd.s32 $0xFFFFE000  }
0x68: {  	[tilespmem:s20], [sflag:$0x2] =	stream.indirect.gather [spmem:s2], $0x40, s10, s17, $0xb8;
	[tilespmem:$0x1E800] =	vst v63  }
.LBB2_3:
0x69: {  	_ =	swait.ge [sflag:s25], $0x2000  }
0x6a: {  	s4 =	sshra.s32 s7, $0x2;
	[sflag:s25] =	ssyncset.done $0x0  }
0x6b: {  	s19 =	sadd.s32 $0x15600, s4;
	[sflag:s25] =	ssyncadd.s32 $0xFFFFE000  }
0x6c: {  	[spmem:s3] =	stream.indirect.scatter.add.f32 [tilespmem:s18], [sflag:$0x5], $0x40, s19, s17, $0xb8;
	[tilespmem:$0x1E800] =	vst v63  }
0x6d: {  	_ =	swait.ge [sflag:s11], $0x2000  }
0x6e: {  	[sflag:s11] =	ssyncset.done $0x0  }
0x6f: {  	s21 =	sadd.s32 $0x14300, s4;
	[sflag:s11] =	ssyncadd.s32 $0xFFFFE000  }
0x70: {  	[tilespmem:s22], [sflag:$0x3] =	stream.indirect.gather [spmem:s2], $0x40, s21, s17, $0xb8;
	[tilespmem:$0x1E800] =	vst v63  }
0x71: {  	_ =	swait.ge [sflag:s26], $0x2000  }
0x72: {  	[sflag:s26] =	ssyncset.done $0x0  }
0x73: {  	s21 =	sadd.s32 $0x15680, s4;
	[sflag:s26] =	ssyncadd.s32 $0xFFFFE000  }
0x74: {  	[spmem:s3] =	stream.indirect.scatter.add.f32 [tilespmem:s20], [sflag:$0x6], $0x40, s21, s17, $0xb8;
	[tilespmem:$0x1E800] =	vst v63  }
0x75: {  	_ =	swait.ge [sflag:s12], $0x2000  }
0x76: {  	[sflag:s12] =	ssyncset.done $0x0  }
0x77: {  	s21 =	sadd.s32 $0x14380, s4;
	[sflag:s12] =	ssyncadd.s32 $0xFFFFE000  }
0x78: {  	[tilespmem:s24], [sflag:$0x4] =	stream.indirect.gather [spmem:s2], $0x40, s21, s17, $0xb8;
	[tilespmem:$0x1E800] =	vst v63  }
0x79: {  	_ =	swait.ge [sflag:s29], $0x2000  }
0x7a: {  	p0 =	seq.s32 s7, $0x4000;
	[sflag:s29] =	ssyncset.done $0x0  }
.Ltmp4:
0x7b: {  	s21 =	sadd.s32 $0x15700, s4;
	[sflag:s29] =	ssyncadd.s32 $0xFFFFE000;
	(pc) =	sbr.rel @p0 .LBB2_5-.Ltmp4, $4  }
0x7c: {  	[spmem:s3] =	stream.indirect.scatter.add.f32 [tilespmem:s22], [sflag:$0x7], $0x40, s21, s17, $0xb8;
	[tilespmem:$0x1E800] =	vst v63  }
0x7d: {  	_ =	swait.ge [sflag:s31], $0x2000  }
0x7e: {  	[sflag:s31] =	ssyncset.done $0x0  }
0x7f: {  	s19 =	sadd.s32 $0x15780, s4;
	[sflag:s31] =	ssyncadd.s32 $0xFFFFE000  }
0x80: {  	s21 =	sadd.s32 $0x14400, s4  }
0x81: {  	[tilespmem:s18], [sflag:$0x1] =	stream.indirect.gather [spmem:s2], $0x40, s21, s17, $0xb8;
	[tilespmem:$0x1E800] =	vst v63  }
0x82: {  	_ =	swait.ge [sflag:s0], $0x2000  }
0x83: {  	[sflag:s0] =	ssyncset.done $0x0  }
0x84: {  	[sflag:s0] =	ssyncadd.s32 $0xFFFFE000  }
0x85: {  	[spmem:s3] =	stream.indirect.scatter.add.f32 [tilespmem:s24], [sflag:$0x8], $0x40, s19, s17, $0xb8;
	[tilespmem:$0x1E800] =	vst v63  }
.Ltmp5:
0x86: {  	_ = 	snop;
	(pc) =	sbr.rel .LBB2_3-.Ltmp5, $4  }
0x87: {  	_ =	swait.ge [sflag:s8], $0x2000  }
0x88: {  	[sflag:s8] =	ssyncset.done $0x0  }
0x89: {  	s7 =	sadd.s32 $0x800, s7;
	s21 =	sadd.s32 $0x14480, s4;
	[sflag:s8] =	ssyncadd.s32 $0xFFFFE000  }
0x8a: {  	[tilespmem:s20], [sflag:$0x2] =	stream.indirect.gather [spmem:s2], $0x40, s21, s17, $0xb8;
	[tilespmem:$0x1E800] =	vst v63  }
.LBB2_7:
0x8b: {  	_ =	sfence.sel $0x180000  }
0x8c: {  	[bflag:$0x0] =	sbarrier.arrive $0xFFFF  }
0x8d: {  	_ =	strace $0x9000004A  }
0x8e: {  	s0 =	stileid.u32;
	[bflag:$0x2] =	sbarrier.arrive $0xFFFF  }
0x8f: {  	p0 =	sne.s32 s0, $0x0;
	s0 =	rddreg [dreg:$0x3]  }
0x90: {  	s0 =	sadd.s32 @!p0 $0x100000, s0  }
0x91: {  	[sflag:s0] =	ssyncadd.tile.s32 @!p0 $0x1;
	_ =	shalt  }
.Lfunc_end2:
_tile_overlayer_lowered:
.L_overlay_start_2:
0x92: {  	(tag) =	ssettag $0x2  }
0x93: {  	s0 =	rddreg [dreg:$0x0];
	s2 =	stileid.u32  }
0x94: {  	s1 =	rddreg [dreg:$0x1];
	p0 =	sne.s32 s2, $0x0  }
0x95: {  	s3 =	rddreg [dreg:$0x2];
	[bflag:$0x3] =	sbarrier.arrive $0xFFFF;
	s2 =	simm.s32 @!p0 $0x1C09  }
0x96: {  	[timem:s3], [sflag:s2] =	dma.local @!p0 [hbm:s0], s1  }
0x97: {  	s0 =	simm.s32 @!p0 $0x9  }
0x98: {  	_ =	swait.ge @!p0 [sflag:s0], s1  }
0x99: {  	s1 =	ssub.s32 @!p0 $0x0, s1;
	[sflag:s0] =	ssyncset.done @!p0 $0x0  }
0x9a: {  	[sflag:s0] =	ssyncadd.s32 @!p0 s1  }
0x9b: {  	[bflag:$0x3] =	sbarrier.arrive $0xFFFF  }
0x9c: {  	_ =	shalt  }

// kernel: kernel.7.cloned.1.call-start
scs
__scs_entry_jumppad:
0x0: {  	(pc) =	sbr.rel $0x88, $3  }
0x1: {  	(tag) =	ssettag $0x0;
	lr =	simm.s32 $0x1  }
0x2: {  	[smem:$0x3F99] =	sst lr;
	_ =	strace $0xD0000000  }
0x3: {  	_ = 	snop  }
0x4: {  	_ = 	snop  }
0x5: {  	_ = 	snop  }
0x6: {  	_ = 	snop  }
0x7: {  	_ = 	snop  }
__scs_overlays_trampoline_lowered:
0x8: {  	[smem:$0x3FA8] =	sst s0  }
0x9: {  	[smem:$0x3FA9] =	sst s1  }
0xa: {  	[smem:$0x3FAA] =	sst s2  }
0xb: {  	[smem:$0x3FAB] =	sst s3  }
0xc: {  	[smem:$0x3FAC] =	sst s4  }
0xd: {  	[smem:$0x3FAD] =	sst s5  }
0xe: {  	[smem:$0x3FAE] =	sst s6  }
0xf: {  	[smem:$0x3FAF] =	sst s7  }
0x10: {  	[smem:$0x3FB0] =	sst s8  }
0x11: {  	[smem:$0x3FB1] =	sst s9;
	s0 =	simm.s32 @!p0 $0x0  }
0x12: {  	s1 =	sld [smem:$0x3F97];
	s0 =	simm.s32 @p0 $0x1  }
0x13: {  	[smem:$0x3FB2] =	sst s0;
	s0 =	simm.s32 @!p1 $0x0  }
0x14: {  	s2 =	sld [smem:$0x3F96];
	s0 =	simm.s32 @p1 $0x1  }
0x15: {  	[smem:$0x3FB3] =	sst s0;
	s0 =	simm.s32 @!p2 $0x0  }
0x16: {  	s3 =	sld [smem:$0x3FDB];
	s0 =	simm.s32 @p2 $0x1  }
0x17: {  	s4 =	simm.s32 $0x1BF5;
	[smem:$0x3FB5] =	sst s0  }
0x18: {  	s0 =	sld [smem:$0x3F98];
	_ =	swait.ge [sflag:s4], $0x0  }
0x19: {  	s7 =	sld [smem:$0x3F99]  }
0x1a: {  	s8 =	sadd.s32 $0xFFFFE003, lr  }
0x1b: {  	s9 =	sadd.s32 $0xFFFFFEF7, lr;
	s5 =	simm.s32 $0xFFFFFFFF;
	p2 =	slt.u32 s8, $0xFFFFF086  }
0x1c: {  	p1 =	slt.u32 s9, $0xF7A;
	s5 =	simm.s32 @!p2 $0x0  }
0x1d: {  	s5 =	simm.s32 @p1 $0x1;
	p0 =	seq.s32 s7, s2  }
0x1e: {  	s7 =	smul.u32 @!p0 $0xF7A, s2;
	p2 =	seq.s32 @!p0 s5, $0x0  }
0x1f: {  	s9 =	smul.u32 $0xF7A, s1;
	s8 =	simm.s32 @!p0 $0x1BF5;
	p2 =	por !p2, p0  }
0x20: {  	[sflag:s8] =	ssyncset.s32 @!p0 $0xFFFFF086;
	s6 =	sadd.s32 @!p0 s3, s7;
	s7 =	simm.s32 @!p0 $0x108  }
0x21: {  	s3 =	sadd.s32 s3, s9;
	s6 =	sadd.s32 @!p0 $0x88, s6;
	s7 =	simm.s32 @p2 $0x1082  }
0x22: {  	[simem:s7], [sflag:s8] =	dma.local @!p0 [hbm:s6], $0xF7A  }
0x23: {  	s9 =	sor.u32 $0xD0000000, s2;
	s6 =	simm.s32 $0x108;
	_ =	swait.ge @!p0 [sflag:s8], $0x0  }
0x24: {  	s3 =	sadd.s32 $0x88, s3;
	s6 =	simm.s32 @!p1 $0x1082;
	[sflag:s4] =	ssyncset.s32 $0xFFFFF086  }
0x25: {  	[simem:s6], [sflag:s4] =	dma.local [hbm:s3], $0xF7A  }
0x26: {  	[smem:$0x3F99] =	sst s1;
	(tag) =	ssettag s2;
	_ =	strace s9  }
0x27: {  	s1 =	sld [smem:$0x3FA9]  }
0x28: {  	s2 =	sld [smem:$0x3FAA]  }
0x29: {  	s4 =	sld [smem:$0x3FAC]  }
0x2a: {  	p0 =	seq.s32 s5, $0x0;
	s5 =	sld [smem:$0x3FAD]  }
0x2b: {  	s6 =	sld [smem:$0x3FAE]  }
0x2c: {  	s7 =	sld [smem:$0x3FAF]  }
0x2d: {  	s3 =	simm.s32 $0x108;
	s8 =	sld [smem:$0x3FB0]  }
0x2e: {  	s3 =	simm.s32 @!p0 $0x1082;
	s9 =	sld [smem:$0x3FB1]  }
0x2f: {  	lr =	sadd.s32 s0, s3;
	s0 =	sld [smem:$0x3FA8]  }
0x30: {  	s3 =	sld [smem:$0x3FAB]  }
0x31: {  	[smem:$0x3FB4] =	sst s10  }
0x32: {  	s10 =	sld [smem:$0x3FB2];
	_ =	sdelay $0x3  }
0x33: {  	p0 =	seq.s32 s10, $0x1;
	s10 =	sld [smem:$0x3FB4];
	_ =	sdelay $0x3  }
0x34: {  	[smem:$0x3FB4] =	sst s10  }
0x35: {  	s10 =	sld [smem:$0x3FB3];
	_ =	sdelay $0x3  }
0x36: {  	p1 =	seq.s32 s10, $0x1;
	s10 =	sld [smem:$0x3FB4];
	_ =	sdelay $0x3  }
0x37: {  	[smem:$0x3FB4] =	sst s10  }
0x38: {  	s10 =	sld [smem:$0x3FB5]  }
0x39: {  	_ = 	snop;
	(pc) =	sbr.ind lr, $3  }
0x3a: {  	_ = 	snop  }
0x3b: {  	_ = 	snop  }
0x3c: {  	p2 =	seq.s32 s10, $0x1;
	s10 =	sld [smem:$0x3FB4]  }
0x3d: {  	_ =	shalt  }
0x3e: {  	_ =	shalt  }
0x3f: {  	_ =	shalt  }
0x40: {  	_ =	shalt  }
0x41: {  	_ =	shalt  }
0x42: {  	_ =	shalt  }
0x43: {  	_ =	shalt  }
0x44: {  	_ =	shalt  }
0x45: {  	_ =	shalt  }
0x46: {  	_ =	shalt  }
0x47: {  	_ =	shalt  }
0x48: {  	_ =	shalt  }
0x49: {  	_ =	shalt  }
0x4a: {  	_ =	shalt  }
0x4b: {  	_ =	shalt  }
0x4c: {  	_ =	shalt  }
0x4d: {  	_ =	shalt  }
0x4e: {  	_ =	shalt  }
0x4f: {  	_ =	shalt  }
0x50: {  	_ =	shalt  }
0x51: {  	_ =	shalt  }
0x52: {  	_ =	shalt  }
0x53: {  	_ =	shalt  }
0x54: {  	_ =	shalt  }
0x55: {  	_ =	shalt  }
0x56: {  	_ =	shalt  }
0x57: {  	_ =	shalt  }
0x58: {  	_ =	shalt  }
0x59: {  	_ =	shalt  }
0x5a: {  	_ =	shalt  }
0x5b: {  	_ =	shalt  }
0x5c: {  	_ =	shalt  }
0x5d: {  	_ =	shalt  }
0x5e: {  	_ =	shalt  }
0x5f: {  	_ =	shalt  }
0x60: {  	_ =	shalt  }
0x61: {  	_ =	shalt  }
0x62: {  	_ =	shalt  }
0x63: {  	_ =	shalt  }
0x64: {  	_ =	shalt  }
0x65: {  	_ =	shalt  }
0x66: {  	_ =	shalt  }
0x67: {  	_ =	shalt  }
0x68: {  	_ =	shalt  }
0x69: {  	_ =	shalt  }
0x6a: {  	_ =	shalt  }
0x6b: {  	_ =	shalt  }
0x6c: {  	_ =	shalt  }
0x6d: {  	_ =	shalt  }
0x6e: {  	_ =	shalt  }
0x6f: {  	_ =	shalt  }
0x70: {  	_ =	shalt  }
0x71: {  	_ =	shalt  }
0x72: {  	_ =	shalt  }
0x73: {  	_ =	shalt  }
0x74: {  	_ =	shalt  }
0x75: {  	_ =	shalt  }
0x76: {  	_ =	shalt  }
0x77: {  	_ =	shalt  }
0x78: {  	_ =	shalt  }
0x79: {  	_ =	shalt  }
0x7a: {  	_ =	shalt  }
0x7b: {  	_ =	shalt  }
0x7c: {  	_ =	shalt  }
0x7d: {  	_ =	shalt  }
0x7e: {  	_ =	shalt  }
0x7f: {  	_ =	shalt  }
0x80: {  	_ =	shalt  }
0x81: {  	_ =	shalt  }
0x82: {  	_ =	shalt  }
0x83: {  	_ =	shalt  }
0x84: {  	_ =	shalt  }
0x85: {  	_ =	shalt  }
0x86: {  	_ =	shalt  }
0x87: {  	_ =	shalt  }
.Lfunc_end0:
.L_simem_size_0:
called_computation_lowered:
.L_overlay_start_0:
0x88: {  	s2 =	sld [smem:$0x3FD9]  }
0x89: {  	s3 =	sld [smem:$0x3FFE];
	_ =	sdelay $0x1  }
0x8a: {  	s1 =	srdreg.scid  }
0x8b: {  	s0 =	sand.u32 $0x1, s1  }
0x8c: {  	s17 =	sshll.u32 s0, $0xA;
	s2 =	sadd.s32 s3, s2  }
0x8d: {  	s2 =	sadd.s32 s2, s17  }
0x8e: {  	[smem:$0x3FC0] =	sst s2  }
0x8f: {  	_ = 	snop  }
0x90: {  	s2 =	sld [smem:$0x3FD0];
	(tm) =	ssettm $0x1  }
0x91: {  	s18 =	sld [smem:$0x3FFB];
	_ =	sdelay $0x3  }
0x92: {  	_ =	strace s18  }
0x93: {  	s3 =	sld [smem:$0x3FFC];
	_ =	sdelay $0x3  }
0x94: {  	_ =	strace s3  }
0x95: {  	s3 =	sld [smem:$0x3FFD];
	_ =	sdelay $0x3  }
0x96: {  	_ =	strace s3  }
0x97: {  	_ =	strace $0x8FFFFFFF  }
0x98: {  	s19 =	sld [smem:$0x3FDB];
	_ =	sdelay $0x1  }
0x99: {  	s4 =	simm.s32 $_scs_section_size  }
0x9a: {  	s5 =	simm.s32 $_size__tile_overlayer_lowered;
	s6 =	simm.s32 $_tile_overlayer_lowered  }
0x9b: {  	s22 =	simm.s32 $0x1BFF;
	s21 =	sshll.u32 s6, $0x1;
	s3 =	sadd.s32 s4, s19  }
0x9c: {  	s7 =	simm.s32 $0x0;
	s20 =	sshll.u32 s5, $0x1;
	s5 =	sadd.s32 s21, s3  }
0x9d: {  	[timem:s7], [sflag:s22] =	dma.local [hbm:s5], s20  }
0x9e: {  	_ =	swait.ge [sflag:s22], s20  }
0x9f: {  	s4 =	ssub.s32 $0x0, s20;
	[sflag:s22] =	ssyncset.done $0x0  }
0xa0: {  	[sflag:s22] =	ssyncadd.s32 s4;
	_ =	sdelay $0x1  }
0xa1: {  	s23 =	simm.s32 $0x1B8B  }
0xa2: {  	_ =	swait.ge [sflag:s23], $0x1  }
0xa3: {  	[sflag:s23] =	ssyncset.done $0x0  }
0xa4: {  	s25 =	simm.s32 $0x1B8E;
	s24 =	sld [smem:$0x3FFE];
	[sflag:s23] =	ssyncadd.s32 $0xFFFFFFFF  }
0xa5: {  	s26 =	simm.s32 $execute0_lowered;
	[smem:$0x3FD2] =	sst s25  }
0xa6: {  	s5 =	sshll.u32 s26, $0x1;
	_ =	strace $0x80000046;
	[dreg:$0x1] =	wrdreg $0xFFFFFFFF  }
0xa7: {  	s28 =	simm.s32 $_size_execute0_lowered;
	s3 =	sadd.s32 s3, s5;
	[dreg:$0x0] =	wrdreg $0x0  }
0xa8: {  	s5 =	sshll.u32 s28, $0x1;
	[dreg:$0x2] =	wrdreg s3  }
0xa9: {  	[dreg:$0x3] =	wrdreg s5  }
0xaa: {  	[dreg:$0x4] =	wrdreg $0xC0  }
0xab: {  	_ =	task [dreg:s7], $0x5FFFF  }
0xac: {  	[dreg:$0x1] =	wrdreg $0xFFFFFFFF  }
0xad: {  	[dreg:$0x0] =	wrdreg $0x60  }
0xae: {  	[dreg:$0x2] =	wrdreg s24  }
0xaf: {  	[dreg:$0x3] =	wrdreg s2  }
0xb0: {  	[dreg:$0x4] =	wrdreg $0x0  }
0xb1: {  	[dreg:$0x5] =	wrdreg $0x9  }
0xb2: {  	_ =	task.clear_ibuf [dreg:s7], $0x6FFFF;
	_ =	strace $0x90000046  }
0xb3: {  	s29 =	simm.s32 $0x9;
	_ =	strace $0x80000048  }
0xb4: {  	_ =	swait.ge [sflag:s29], $0x1  }
0xb5: {  	[sflag:s29] =	ssyncadd.s32 $0xFFFFFFFF  }
0xb6: {  	_ =	strace $0x90000048  }
0xb7: {  	_ =	sfence  }
0xb8: {  	s30 =	sld [smem:$0x0];
	_ =	sdelay $0x2  }
0xb9: {  	s31 =	sshll.u32 s1, $0xD;
	s1 =	sshrl.u32 s1, $0x2  }
0xba: {  	s3 =	sand.u32 $0x4000, s31;
	s1 =	sadd.s32 s1, s30  }
0xbb: {  	s0 =	sor.u32 s3, s0;
	s1 =	sshll.u32 s1, $0x11  }
0xbc: {  	s0 =	sor.u32 s1, s0  }
0xbd: {  	s0 =	sadd.s32 $0x8F2B, s0  }
0xbe: {  	[sflag:s0] =	ssyncadd.remote.s32 $0x1  }
0xbf: {  	_ =	sfence.sel $0xFFFF  }
0xc0: {  	[dreg:$0x0] =	wrdreg $0xFFFFFFFF;
	(pc) =	sbr.abs _section_cstart, $3  }
0xc1: {  	[dreg:$0x1] =	wrdreg $0xFFFFFFFF  }
0xc2: {  	_ =	task.clear_ibuf [dreg:s7], $0x2FFFF;
	_ =	strace $0x9FFFFFFF  }
0xc3: {  	(tm) =	ssettm $0x7FFFFFFF  }
tec
execute0_lowered:
.L_overlay_start_1:
0x0: {  	(tag) =	ssettag $0x1  }
0x1: {  	s4 =	rddreg [dreg:$0x0]  }
0x2: {  	s7 =	rddreg [dreg:$0x1]  }
0x3: {  	s2 =	rddreg [dreg:$0x2]  }
0x4: {  	s0 =	rddreg [dreg:$0x3];
	s1 =	stileid.u32  }
0x5: {  	s3 =	simm.s32 $0x0;
	s6 =	srdreg.scid;
	s15 =	simm.s32 $0x80  }
0x6: {  	s16 =	simm.s32 $0x0;
	s5 =	smul.u32 $0xA00, s1;
	[smem:$0x7FF] =	sst s3  }
0x7: {  	s8 =	smul.u32 $0x2800, s1;
	s6 =	sand.u32 $0x1, s6;
	s13 =	sshll.u32 s1, $0x6  }
0x8: {  	_ =	strace $0x80000047;
	s9 =	ssub.s32 $0x2, s6;
	s12 =	smul.u32 $0x28000, s6  }
0x9: {  	s29 =	smul.u32 $0xA000, s6;
	s13 =	sor.u32 $0x1C01, s13;
	s5 =	sadd.s32 s5, s4  }
0xa: {  	s10 =	sshrl.u32 s8, $0x3;
	s11 =	sshrl.u32 s9, $0x1;
	s14 =	sadd.s32 s8, s2  }
0xb: {  	s10 =	sadd.s32 s10, s4;
	s4 =	sadd.s32 $0x1AE00, s4;
	s9 =	ssub.s32 s9, s11  }
0xc: {  	s5 =	sadd.s32 $0x1E00, s5;
	s28 =	sadd.s32 s8, s12;
	s31 =	sshrl.u32 s29, $0x2  }
0xd: {  	s11 =	simm.s32 $0x1;
	s12 =	simm.s32 $0x2800;
	s14 =	sshrl.u32 s14, $0x3  }
0xe: {  	s6 =	sadd.s32 $0x15E00, s10;
	s30 =	sshrl.u32 s28, $0x3;
	s8 =	smax.u32 s9, $0x1  }
0xf: {  	s9 =	sadd.s32 $0x2800, s31;
	s10 =	simm.s32 $0x7800;
	s7 =	sadd.s32 s7, s30  }
.LBB2_1:
0x10: {  	[tilespmem:s10], [sflag:$0x1] =	stream.linear.gather [hbm4b:s4+s3], $0x800, $0x38;
	[tilespmem:$0x8000] =	vst v63  }
0x11: {  	_ =	swait.ge [sflag:s11], $0x800  }
0x12: {  	[sflag:s11] =	ssyncset.done $0x0  }
0x13: {  	[sflag:s11] =	ssyncadd.s32 $0xFFFFF800  }
0x14: {  	[tilespmem:s12], [sflag:$0x1] =	stream.linear.gather [hbm4b:s5+s3], $0x5000, $0x38;
	[tilespmem:$0x8000] =	vst v63  }
0x15: {  	_ =	swait.ge [sflag:s11], $0x5000  }
0x16: {  	[sflag:s11] =	ssyncset.done $0x0  }
0x17: {  	[sflag:s11] =	ssyncadd.s32 $0xFFFFB000  }
0x18: {  	[spmem:s14], [sflag:s13] =	dma.local [hbm:s6], $0x500  }
0x19: {  	_ =	swait.ge [sflag:s11], $0x500  }
0x1a: {  	[sflag:s11] =	ssyncset.done $0x0  }
0x1b: {  	[sflag:s11] =	ssyncadd.s32 $0xFFFFFB00  }
0x1c: {  	s17 =	sadd.s32 $0x0, s9;
	[bflag:$0x0] =	sbarrier.arrive $0xFFFF  }
0x1d: {  	[spmem:s2] =	stream.indirect.scatter.add.f32 [tilespmem:s10], [sflag:$0x1], $0x10, s17, s15, $0xb8;
	[tilespmem:$0x8000] =	vst v63  }
0x1e: {  	s17 =	simm.s32 $0x200;
	_ =	swait.ge [sflag:s11], $0x800  }
.LBB2_2:
0x1f: {  	s18 =	sshra.s32 s17, $0x2;
	[sflag:s11] =	ssyncset.done $0x0;
	p0 =	sne.s32 s17, $0x9E00  }
.Ltmp0:
0x20: {  	s18 =	sadd.s32 s18, s9;
	[sflag:s11] =	ssyncadd.s32 $0xFFFFF800;
	(pc) =	sbr.rel @p0 .LBB2_2-.Ltmp0, $3  }
0x21: {  	[spmem:s2] =	stream.indirect.scatter.add.f32 [tilespmem:s10], [sflag:$0x1], $0x10, s18, s15, $0xb8;
	[tilespmem:$0x8000] =	vst v63  }
0x22: {  	s17 =	sadd.s32 $0x200, s17;
	_ =	sdelay $0x1  }
0x23: {  	_ =	swait.ge [sflag:s11], $0x800  }
0x24: {  	[sflag:s11] =	ssyncset.done $0x0;
	s16 =	sadd.s32 $0x1, s16  }
0x25: {  	[sflag:s11] =	ssyncadd.s32 $0xFFFFF800;
	p0 =	sne.s32 s16, s8  }
.Ltmp1:
0x26: {  	[bflag:$0x0] =	sbarrier.arrive $0xFFFF;
	(pc) =	sbr.rel @p0 .LBB2_1-.Ltmp1, $4  }
0x27: {  	[hbm:s7], [sflag:s13] =	dma.local [spmem:s14], $0x500  }
0x28: {  	_ =	swait.ge [sflag:s11], $0x500  }
0x29: {  	[sflag:s11] =	ssyncset.done $0x0  }
0x2a: {  	[sflag:s11] =	ssyncadd.s32 $0xFFFFFB00  }
0x2b: {  	_ =	sfence.sel $0x180000  }
0x2c: {  	[bflag:$0x0] =	sbarrier.arrive $0xFFFF  }
0x2d: {  	p0 =	sne.s32 s1, $0x0;
	_ =	strace $0x90000047  }
0x2e: {  	s0 =	sadd.s32 @!p0 $0x100000, s0;
	[bflag:$0x2] =	sbarrier.arrive $0xFFFF  }
0x2f: {  	[sflag:s0] =	ssyncadd.tile.s32 @!p0 $0x1;
	_ =	shalt  }
.Lfunc_end2:
_tile_overlayer_lowered:
.L_overlay_start_2:
0x30: {  	(tag) =	ssettag $0x2  }
0x31: {  	s0 =	rddreg [dreg:$0x0];
	s2 =	stileid.u32  }
0x32: {  	s1 =	rddreg [dreg:$0x1];
	p0 =	sne.s32 s2, $0x0  }
0x33: {  	s3 =	rddreg [dreg:$0x2];
	[bflag:$0x3] =	sbarrier.arrive $0xFFFF;
	s2 =	simm.s32 @!p0 $0x1C01  }
0x34: {  	[timem:s3], [sflag:s2] =	dma.local @!p0 [hbm:s0], s1  }
0x35: {  	s0 =	simm.s32 @!p0 $0x1  }
0x36: {  	_ =	swait.ge @!p0 [sflag:s0], s1  }
0x37: {  	s1 =	ssub.s32 @!p0 $0x0, s1;
	[sflag:s0] =	ssyncset.done @!p0 $0x0  }
0x38: {  	[sflag:s0] =	ssyncadd.s32 @!p0 s1  }
0x39: {  	[bflag:$0x3] =	sbarrier.arrive $0xFFFF  }
0x3a: {  	_ =	shalt  }

</sc_bundles>
